<compile_context>
chip_gen: v7x
topology: tpu7x:2x2x1
jax: 0.10.2.dev20260603
libtpu: 0.0.44.dev20260713+nightly
codegen_flags: <defaults>
</compile_context>

<pallas_src>
import functools

import jax
import jax.numpy as jnp
from jax import lax
from jax.experimental import pallas as pl
from jax.experimental.pallas import tpu as pltpu
from jax.experimental.pallas import tpu_sc as plsc

Q = 1024
D = 128
N = 100000
K = 8
OUT_DIM = 32

BN = 2000
NT = N // BN

_BIG_I = 2**30


def _topk_tile_kernel(q_ref, db_ref, vals_ref, idxs_ref):
    q = q_ref[...]
    db = db_ref[...]
    qd = lax.dot_general(q, db, (((1,), (1,)), ((), ())),
                         preferred_element_type=jnp.float32)
    q_sq = jnp.sum(q * q, axis=1, keepdims=True)
    d_sq = jnp.sum(db * db, axis=1)[None, :]
    d2 = q_sq + d_sq - 2.0 * qd
    dist = jnp.sqrt(jnp.maximum(d2, 0.0))

    base = pl.program_id(0) * BN
    col = lax.broadcasted_iota(jnp.int32, (Q, BN), 1)

    for k in range(K):
        m = jnp.min(dist, axis=1)
        cidx = jnp.min(jnp.where(dist == m[:, None], col, _BIG_I),
                       axis=1)
        vals_ref[0, k, :] = m
        idxs_ref[0, k, :] = cidx + base
        dist = jnp.where(col == cidx[:, None], jnp.inf, dist)


def _merge_kernel(vals_ref, idxs_ref, out_ref):
    v = vals_ref[...]
    x = idxs_ref[...]
    for k in range(K):
        m = jnp.min(v, axis=0)
        gi = jnp.min(jnp.where(v == m[None, :], x, _BIG_I), axis=0)
        out_ref[k, :] = gi * 2 + (k // 4)
        v = jnp.where(x == gi[None, :], jnp.inf, v)


def _make_sc_gather_mean():
    info = plsc.get_sparse_core_info()
    nc, ns = info.num_cores, info.num_subcores
    nw = nc * ns
    b_per_w = (Q * K) // nw
    q_per_w = Q // nw
    n_chunk = b_per_w // 128
    mesh = plsc.VectorSubcoreMesh(core_axis_name="c", subcore_axis_name="s")

    @functools.partial(
        pl.kernel, mesh=mesh,
        out_type=jax.ShapeDtypeStruct((Q, OUT_DIM), jnp.float32),
        scratch_types=[
            pltpu.VMEM((n_chunk, 128), jnp.int32),
            pltpu.VMEM((b_per_w, 128), jnp.float32),
            pltpu.VMEM((q_per_w, OUT_DIM), jnp.float32),
            pltpu.SemaphoreType.DMA,
        ],
    )
    def sc_gather_mean(labels_hbm, fidx_hbm, out_hbm, idx_v, rows_v, out_v,
                       sem):
        wid = lax.axis_index("s") * nc + lax.axis_index("c")
        pltpu.sync_copy(fidx_hbm.at[wid], idx_v)
        copies = [
            pltpu.async_copy(labels_hbm.at[idx_v.at[b]],
                             rows_v.at[pl.ds(b * 128, 128)], sem)
            for b in range(n_chunk)
        ]
        for c in copies:
            c.wait()

        def body(r, carry):
            for h in range(OUT_DIM // 16):
                acc = rows_v[r * K, pl.ds(h * 16, 16)]
                for kk in range(1, K):
                    off = (kk % 4) * OUT_DIM + h * 16
                    acc = acc + rows_v[r * K + kk, pl.ds(off, 16)]
                out_v[r, pl.ds(h * 16, 16)] = acc * (1.0 / K)
            return carry

        lax.fori_loop(0, q_per_w, body, 0)
        pltpu.sync_copy(out_v, out_hbm.at[pl.ds(wid * q_per_w, q_per_w)])

    return sc_gather_mean


_sc_cache = []


def _get_sc_gather_mean():
    if not _sc_cache:
        _sc_cache.append(_make_sc_gather_mean())
    return _sc_cache[0]


def kernel(query, database, database_labels):
    vals, idxs = pl.pallas_call(
        _topk_tile_kernel,
        grid=(NT,),
        in_specs=[
            pl.BlockSpec((Q, D), lambda i: (0, 0)),
            pl.BlockSpec((BN, D), lambda i: (i, 0)),
        ],
        out_specs=[
            pl.BlockSpec((1, K, Q), lambda i: (i, 0, 0)),
            pl.BlockSpec((1, K, Q), lambda i: (i, 0, 0)),
        ],
        out_shape=[
            jax.ShapeDtypeStruct((NT, K, Q), jnp.float32),
            jax.ShapeDtypeStruct((NT, K, Q), jnp.int32),
        ],
    )(query, database)

    fidx = pl.pallas_call(
        _merge_kernel,
        out_shape=jax.ShapeDtypeStruct((K, Q), jnp.int32),
    )(vals.reshape(NT * K, Q), idxs.reshape(NT * K, Q))

    labels_flat = database_labels.reshape(N * 2, 128)
    fidx_flat = fidx.T.reshape(32, 2, 128)
    return _get_sc_gather_mean()(labels_flat, fidx_flat)

# --- scband reference (transcript-rebuilt; emitter-appended) ---
"""Pipeline reference for scband-knn-4466765988030 (READ-ONLY COPY).

The authoritative reference and input builder live on the scoring server;
editing this copy changes nothing except your own understanding.
"""

import jax, jax.numpy as jnp
import numpy as np

K = 8
OUT_DIM = 32

def setup_inputs(seed: int = 0) -> dict:
    key = jax.random.key(seed)
    k1, k2, k3 = jax.random.split(key, 3)
    query = jax.random.normal(k1, (1024, 128), dtype=jnp.float32)
    database = jax.random.normal(k2, (100000, 128), dtype=jnp.float32)
    # torch.gather(database_labels, dim=0, index=[Q, k, out_dim]) requires a 3D
    # label tensor with trailing dims >= (k, out_dim)
    database_labels = jax.random.normal(k3, (100000, K, OUT_DIM), dtype=jnp.float32)
    return {"query": query, "database": database, "database_labels": database_labels}

def reference(query, database, database_labels):
    # torch.cdist(query, database, p=2)
    q_sq = jnp.sum(query * query, axis=1, keepdims=True)          # [Q, 1]
    d_sq = jnp.sum(database * database, axis=1, keepdims=True).T  # [1, N]
    d2 = q_sq + d_sq - 2.0 * (query @ database.T)                 # [Q, N]
    distances = jnp.sqrt(jnp.maximum(d2, 0.0))
    # torch.topk(distances, k, dim=1, largest=False) -> smallest k
    _, indices = jax.lax.top_k(-distances, K)                     # [Q, K]
    # torch.gather(database_labels, dim=0, index=indices.unsqueeze(2).expand(-1,-1,out_dim))
    idx3 = jnp.broadcast_to(indices[:, :, None], (indices.shape[0], K, OUT_DIM))
    knn_labels = jnp.take_along_axis(database_labels, idx3, axis=0)  # [Q, K, OUT_DIM]
    knn_predictions = knn_labels.mean(axis=1)                        # [Q, OUT_DIM]
    return knn_predictions

if __name__ == "__main__":
    import jax
    _d = setup_inputs()
    print(jax.jit(kernel)(*tuple(_d.values())))

</pallas_src>

<mosaic_0001>
#map = affine_map<(d0, d1) -> (0, 0)>
#map1 = affine_map<(d0, d1) -> (0, 0, 0)>
module attributes {stable_mosaic.version = 14 : i64} {
  func.func @sc_gather_mean(%arg0: i32, %arg1: i32, %arg2: memref<200000x128xf32, #tpu.memory_space<hbm>>, %arg3: memref<32x2x128xi32, #tpu.memory_space<hbm>>, %arg4: memref<1024x32xf32, #tpu.memory_space<hbm>>, %arg5: memref<2x128xi32, #tpu.memory_space<vmem>>, %arg6: memref<256x128xf32, #tpu.memory_space<vmem>>, %arg7: memref<32x32xf32, #tpu.memory_space<vmem>>, %arg8: memref<!tpu.dma_semaphore, #tpu.memory_space<semaphore_mem>>) attributes {dimension_semantics = [#tpu.dimension_semantics<core_parallel>, #tpu.dimension_semantics<subcore_parallel>], iteration_bounds = array<i64: 2, 16>, scalar_prefetch = 0 : i64, scratch_operands = 4 : i64, tpu.core_type = #tpu.core_type<sc_vector_subcore>, window_params = [{transform_indices = #map}, {transform_indices = #map1}, {transform_indices = #map}]} {
    %mul3A = arith.constant 2 : i32
    %mul3A_0 = arith.muli %arg1, %mul3A : i32
    %add3A = arith.addi %mul3A_0, %arg0 : i32
    "tpu.region"() ({
      %run_scoped3A = tpu.sem_alloc : memref<!tpu.dma_semaphore, #tpu.memory_space<semaphore_mem>>
      %dma_start3A_46 = arith.constant 0 : i32
      %dma_start3A_47 = arith.constant 0 : i32
      %dma_start3A_48 = tpu.memref_slice %arg3[%add3A, %dma_start3A_46, %dma_start3A_47] : memref<32x2x128xi32, #tpu.memory_space<hbm>> -> memref<1x2x128xi32, #tpu.memory_space<hbm>>
      %dma_start3A_49 = tpu.memref_squeeze %dma_start3A_48 : memref<1x2x128xi32, #tpu.memory_space<hbm>> -> memref<2x128xi32, #tpu.memory_space<hbm>>
      %dma_start3A_50 = arith.constant 0 : i32
      %dma_start3A_51 = arith.constant 0 : i32
      %dma_start3A_52 = tpu.memref_slice %arg3[%add3A, %dma_start3A_50, %dma_start3A_51] : memref<32x2x128xi32, #tpu.memory_space<hbm>> -> memref<1x2x128xi32, #tpu.memory_space<hbm>>
      %dma_start3A_53 = tpu.memref_squeeze %dma_start3A_52 : memref<1x2x128xi32, #tpu.memory_space<hbm>> -> memref<2x128xi32, #tpu.memory_space<hbm>>
      tpu.enqueue_dma source(%dma_start3A_53 : memref<2x128xi32, #tpu.memory_space<hbm>>) target(%arg5 : memref<2x128xi32, #tpu.memory_space<vmem>>) target_semaphore(%run_scoped3A : memref<!tpu.dma_semaphore, #tpu.memory_space<semaphore_mem>>)
      %dma_wait3A_54 = arith.constant 0 : i32
      %dma_wait3A_55 = arith.constant 0 : i32
      %dma_wait3A_56 = tpu.memref_slice %arg3[%add3A, %dma_wait3A_54, %dma_wait3A_55] : memref<32x2x128xi32, #tpu.memory_space<hbm>> -> memref<1x2x128xi32, #tpu.memory_space<hbm>>
      %dma_wait3A_57 = tpu.memref_squeeze %dma_wait3A_56 : memref<1x2x128xi32, #tpu.memory_space<hbm>> -> memref<2x128xi32, #tpu.memory_space<hbm>>
      %dma_wait3A_58 = arith.constant 0 : i32
      %dma_wait3A_59 = arith.constant 0 : i32
      %dma_wait3A_60 = tpu.memref_slice %arg3[%add3A, %dma_wait3A_58, %dma_wait3A_59] : memref<32x2x128xi32, #tpu.memory_space<hbm>> -> memref<1x2x128xi32, #tpu.memory_space<hbm>>
      %dma_wait3A_61 = tpu.memref_squeeze %dma_wait3A_60 : memref<1x2x128xi32, #tpu.memory_space<hbm>> -> memref<2x128xi32, #tpu.memory_space<hbm>>
      tpu.wait_dma2 semaphore(%run_scoped3A : memref<!tpu.dma_semaphore, #tpu.memory_space<semaphore_mem>>) src(%dma_wait3A_61 : memref<2x128xi32, #tpu.memory_space<hbm>>) dst(%arg5 : memref<2x128xi32, #tpu.memory_space<vmem>>)
      tpu.yield
    }) : () -> ()
    %dma_start3A = arith.constant 0 : i32
    %dma_start3A_1 = arith.constant 0 : i32
    %dma_start3A_2 = arith.constant 0 : i32
    %dma_start3A_3 = tpu.memref_slice %arg6[%dma_start3A_1, %dma_start3A_2] : memref<256x128xf32, #tpu.memory_space<vmem>> -> memref<128x128xf32, #tpu.memory_space<vmem>>
    %dma_start3A_4 = arith.constant 0 : i32
    %dma_start3A_5 = tpu.memref_slice %arg5[%dma_start3A, %dma_start3A_4] : memref<2x128xi32, #tpu.memory_space<vmem>> -> memref<1x128xi32, #tpu.memory_space<vmem>>
    %dma_start3A_6 = tpu.memref_squeeze %dma_start3A_5 : memref<1x128xi32, #tpu.memory_space<vmem>> -> memref<128xi32, #tpu.memory_space<vmem>>
    %dma_start3A_7 = arith.constant 0 : i32
    %dma_start3A_8 = arith.constant 0 : i32
    %dma_start3A_9 = tpu.memref_slice %arg2[%dma_start3A_7, %dma_start3A_8] : memref<200000x128xf32, #tpu.memory_space<hbm>> -> memref<200000x128xf32, #tpu.memory_space<hbm>>
    tpu.enqueue_indirect_dma source(%dma_start3A_9 : memref<200000x128xf32, #tpu.memory_space<hbm>>) target(%dma_start3A_3 : memref<128x128xf32, #tpu.memory_space<vmem>>) offsets(%dma_start3A_6 : memref<128xi32, #tpu.memory_space<vmem>>) semaphore(%arg8 : memref<!tpu.dma_semaphore, #tpu.memory_space<semaphore_mem>>)
    %dma_start3A_10 = arith.constant 1 : i32
    %dma_start3A_11 = arith.constant 128 : i32
    %dma_start3A_12 = arith.constant 0 : i32
    %dma_start3A_13 = tpu.memref_slice %arg6[%dma_start3A_11, %dma_start3A_12] : memref<256x128xf32, #tpu.memory_space<vmem>> -> memref<128x128xf32, #tpu.memory_space<vmem>>
    %dma_start3A_14 = arith.constant 0 : i32
    %dma_start3A_15 = tpu.memref_slice %arg5[%dma_start3A_10, %dma_start3A_14] : memref<2x128xi32, #tpu.memory_space<vmem>> -> memref<1x128xi32, #tpu.memory_space<vmem>>
    %dma_start3A_16 = tpu.memref_squeeze %dma_start3A_15 : memref<1x128xi32, #tpu.memory_space<vmem>> -> memref<128xi32, #tpu.memory_space<vmem>>
    %dma_start3A_17 = arith.constant 0 : i32
    %dma_start3A_18 = arith.constant 0 : i32
    %dma_start3A_19 = tpu.memref_slice %arg2[%dma_start3A_17, %dma_start3A_18] : memref<200000x128xf32, #tpu.memory_space<hbm>> -> memref<200000x128xf32, #tpu.memory_space<hbm>>
    tpu.enqueue_indirect_dma source(%dma_start3A_19 : memref<200000x128xf32, #tpu.memory_space<hbm>>) target(%dma_start3A_13 : memref<128x128xf32, #tpu.memory_space<vmem>>) offsets(%dma_start3A_16 : memref<128xi32, #tpu.memory_space<vmem>>) semaphore(%arg8 : memref<!tpu.dma_semaphore, #tpu.memory_space<semaphore_mem>>)
    %dma_wait3A = arith.constant 0 : i32
    %dma_wait3A_20 = arith.constant 0 : i32
    %dma_wait3A_21 = arith.constant 0 : i32
    %dma_wait3A_22 = tpu.memref_slice %arg6[%dma_wait3A_20, %dma_wait3A_21] : memref<256x128xf32, #tpu.memory_space<vmem>> -> memref<128x128xf32, #tpu.memory_space<vmem>>
    %dma_wait3A_23 = arith.constant 0 : i32
    %dma_wait3A_24 = tpu.memref_slice %arg5[%dma_wait3A, %dma_wait3A_23] : memref<2x128xi32, #tpu.memory_space<vmem>> -> memref<1x128xi32, #tpu.memory_space<vmem>>
    %dma_wait3A_25 = tpu.memref_squeeze %dma_wait3A_24 : memref<1x128xi32, #tpu.memory_space<vmem>> -> memref<128xi32, #tpu.memory_space<vmem>>
    %dma_wait3A_26 = arith.constant 0 : i32
    %dma_wait3A_27 = arith.constant 0 : i32
    %dma_wait3A_28 = tpu.memref_slice %arg2[%dma_wait3A_26, %dma_wait3A_27] : memref<200000x128xf32, #tpu.memory_space<hbm>> -> memref<200000x128xf32, #tpu.memory_space<hbm>>
    tpu.wait_indirect_dma semaphore(%arg8 : memref<!tpu.dma_semaphore, #tpu.memory_space<semaphore_mem>>) src(%dma_wait3A_28 : memref<200000x128xf32, #tpu.memory_space<hbm>>) dst(%dma_wait3A_22 : memref<128x128xf32, #tpu.memory_space<vmem>>)
    %dma_wait3A_29 = arith.constant 1 : i32
    %dma_wait3A_30 = arith.constant 128 : i32
    %dma_wait3A_31 = arith.constant 0 : i32
    %dma_wait3A_32 = tpu.memref_slice %arg6[%dma_wait3A_30, %dma_wait3A_31] : memref<256x128xf32, #tpu.memory_space<vmem>> -> memref<128x128xf32, #tpu.memory_space<vmem>>
    %dma_wait3A_33 = arith.constant 0 : i32
    %dma_wait3A_34 = tpu.memref_slice %arg5[%dma_wait3A_29, %dma_wait3A_33] : memref<2x128xi32, #tpu.memory_space<vmem>> -> memref<1x128xi32, #tpu.memory_space<vmem>>
    %dma_wait3A_35 = tpu.memref_squeeze %dma_wait3A_34 : memref<1x128xi32, #tpu.memory_space<vmem>> -> memref<128xi32, #tpu.memory_space<vmem>>
    %dma_wait3A_36 = arith.constant 0 : i32
    %dma_wait3A_37 = arith.constant 0 : i32
    %dma_wait3A_38 = tpu.memref_slice %arg2[%dma_wait3A_36, %dma_wait3A_37] : memref<200000x128xf32, #tpu.memory_space<hbm>> -> memref<200000x128xf32, #tpu.memory_space<hbm>>
    tpu.wait_indirect_dma semaphore(%arg8 : memref<!tpu.dma_semaphore, #tpu.memory_space<semaphore_mem>>) src(%dma_wait3A_38 : memref<200000x128xf32, #tpu.memory_space<hbm>>) dst(%dma_wait3A_32 : memref<128x128xf32, #tpu.memory_space<vmem>>)
    %scan3A = arith.constant 0 : i32
    %scan3A_39 = arith.constant 0 : i32
    %scan3A_40 = arith.constant 32 : i32
    %scan3A_41 = arith.addi %scan3A_39, %scan3A_40 : i32
    %scan3A_42 = arith.constant 1 : i32
    scf.for %scan3A_46 = %scan3A_39 to %scan3A_41 step %scan3A_42  : i32 {
      %mul3A_47 = arith.constant 8 : i32
      %mul3A_48 = arith.muli %scan3A_46, %mul3A_47 : i32
      %get3A = arith.index_cast %mul3A_48 : i32 to index
      %get3A_49 = arith.constant 0 : index
      %get3A_50 = tpu.vector_load %arg6[%get3A, %get3A_49] {strides = array<i32>} : memref<256x128xf32, #tpu.memory_space<vmem>>, vector<1x16xf32>,
      %get3A_51 = vector.shape_cast %get3A_50 : vector<1x16xf32> to vector<16xf32>
      %mul3A_52 = arith.constant 8 : i32
      %mul3A_53 = arith.muli %scan3A_46, %mul3A_52 : i32
      %add3A_54 = arith.constant 1 : i32
      %add3A_55 = arith.addi %mul3A_53, %add3A_54 : i32
      %get3A_56 = arith.index_cast %add3A_55 : i32 to index
      %get3A_57 = arith.constant 32 : index
      %get3A_58 = tpu.vector_load %arg6[%get3A_56, %get3A_57] {strides = array<i32>} : memref<256x128xf32, #tpu.memory_space<vmem>>, vector<1x16xf32>,
      %get3A_59 = vector.shape_cast %get3A_58 : vector<1x16xf32> to vector<16xf32>
      %add3A_60 = arith.addf %get3A_51, %get3A_59 : vector<16xf32>
      %mul3A_61 = arith.constant 8 : i32
      %mul3A_62 = arith.muli %scan3A_46, %mul3A_61 : i32
      %add3A_63 = arith.constant 2 : i32
      %add3A_64 = arith.addi %mul3A_62, %add3A_63 : i32
      %get3A_65 = arith.index_cast %add3A_64 : i32 to index
      %get3A_66 = arith.constant 64 : index
      %get3A_67 = tpu.vector_load %arg6[%get3A_65, %get3A_66] {strides = array<i32>} : memref<256x128xf32, #tpu.memory_space<vmem>>, vector<1x16xf32>,
      %get3A_68 = vector.shape_cast %get3A_67 : vector<1x16xf32> to vector<16xf32>
      %add3A_69 = arith.addf %add3A_60, %get3A_68 : vector<16xf32>
      %mul3A_70 = arith.constant 8 : i32
      %mul3A_71 = arith.muli %scan3A_46, %mul3A_70 : i32
      %add3A_72 = arith.constant 3 : i32
      %add3A_73 = arith.addi %mul3A_71, %add3A_72 : i32
      %get3A_74 = arith.index_cast %add3A_73 : i32 to index
      %get3A_75 = arith.constant 96 : index
      %get3A_76 = tpu.vector_load %arg6[%get3A_74, %get3A_75] {strides = array<i32>} : memref<256x128xf32, #tpu.memory_space<vmem>>, vector<1x16xf32>,
      %get3A_77 = vector.shape_cast %get3A_76 : vector<1x16xf32> to vector<16xf32>
      %add3A_78 = arith.addf %add3A_69, %get3A_77 : vector<16xf32>
      %mul3A_79 = arith.constant 8 : i32
      %mul3A_80 = arith.muli %scan3A_46, %mul3A_79 : i32
      %add3A_81 = arith.constant 4 : i32
      %add3A_82 = arith.addi %mul3A_80, %add3A_81 : i32
      %get3A_83 = arith.index_cast %add3A_82 : i32 to index
      %get3A_84 = arith.constant 0 : index
      %get3A_85 = tpu.vector_load %arg6[%get3A_83, %get3A_84] {strides = array<i32>} : memref<256x128xf32, #tpu.memory_space<vmem>>, vector<1x16xf32>,
      %get3A_86 = vector.shape_cast %get3A_85 : vector<1x16xf32> to vector<16xf32>
      %add3A_87 = arith.addf %add3A_78, %get3A_86 : vector<16xf32>
      %mul3A_88 = arith.constant 8 : i32
      %mul3A_89 = arith.muli %scan3A_46, %mul3A_88 : i32
      %add3A_90 = arith.constant 5 : i32
      %add3A_91 = arith.addi %mul3A_89, %add3A_90 : i32
      %get3A_92 = arith.index_cast %add3A_91 : i32 to index
      %get3A_93 = arith.constant 32 : index
      %get3A_94 = tpu.vector_load %arg6[%get3A_92, %get3A_93] {strides = array<i32>} : memref<256x128xf32, #tpu.memory_space<vmem>>, vector<1x16xf32>,
      %get3A_95 = vector.shape_cast %get3A_94 : vector<1x16xf32> to vector<16xf32>
      %add3A_96 = arith.addf %add3A_87, %get3A_95 : vector<16xf32>
      %mul3A_97 = arith.constant 8 : i32
      %mul3A_98 = arith.muli %scan3A_46, %mul3A_97 : i32
      %add3A_99 = arith.constant 6 : i32
      %add3A_100 = arith.addi %mul3A_98, %add3A_99 : i32
      %get3A_101 = arith.index_cast %add3A_100 : i32 to index
      %get3A_102 = arith.constant 64 : index
      %get3A_103 = tpu.vector_load %arg6[%get3A_101, %get3A_102] {strides = array<i32>} : memref<256x128xf32, #tpu.memory_space<vmem>>, vector<1x16xf32>,
      %get3A_104 = vector.shape_cast %get3A_103 : vector<1x16xf32> to vector<16xf32>
      %add3A_105 = arith.addf %add3A_96, %get3A_104 : vector<16xf32>
      %mul3A_106 = arith.constant 8 : i32
      %mul3A_107 = arith.muli %scan3A_46, %mul3A_106 : i32
      %add3A_108 = arith.constant 7 : i32
      %add3A_109 = arith.addi %mul3A_107, %add3A_108 : i32
      %get3A_110 = arith.index_cast %add3A_109 : i32 to index
      %get3A_111 = arith.constant 96 : index
      %get3A_112 = tpu.vector_load %arg6[%get3A_110, %get3A_111] {strides = array<i32>} : memref<256x128xf32, #tpu.memory_space<vmem>>, vector<1x16xf32>,
      %get3A_113 = vector.shape_cast %get3A_112 : vector<1x16xf32> to vector<16xf32>
      %add3A_114 = arith.addf %add3A_105, %get3A_113 : vector<16xf32>
      %mul3A_115 = arith.constant 1.250000e-01 : f32
      %mul3A_116 = vector.broadcast %mul3A_115 : f32 to vector<16xf32>
      %mul3A_117 = arith.mulf %add3A_114, %mul3A_116 : vector<16xf32>
      %swap3A = arith.index_cast %scan3A_46 : i32 to index
      %swap3A_118 = arith.constant 0 : index
      %swap3A_119 = tpu.vector_load %arg7[%swap3A, %swap3A_118] {strides = array<i32>} : memref<32x32xf32, #tpu.memory_space<vmem>>, vector<1x16xf32>,
      %swap3A_120 = vector.shape_cast %swap3A_119 : vector<1x16xf32> to vector<16xf32>
      %swap3A_121 = vector.shape_cast %mul3A_117 : vector<16xf32> to vector<1x16xf32>
      tpu.vector_store %arg7[%swap3A, %swap3A_118], %swap3A_121 {strides = array<i32>} : memref<32x32xf32, #tpu.memory_space<vmem>>, vector<1x16xf32>,
      %mul3A_122 = arith.constant 8 : i32
      %mul3A_123 = arith.muli %scan3A_46, %mul3A_122 : i32
      %get3A_124 = arith.index_cast %mul3A_123 : i32 to index
      %get3A_125 = arith.constant 16 : index
      %get3A_126 = tpu.vector_load %arg6[%get3A_124, %get3A_125] {strides = array<i32>} : memref<256x128xf32, #tpu.memory_space<vmem>>, vector<1x16xf32>,
      %get3A_127 = vector.shape_cast %get3A_126 : vector<1x16xf32> to vector<16xf32>
      %mul3A_128 = arith.constant 8 : i32
      %mul3A_129 = arith.muli %scan3A_46, %mul3A_128 : i32
      %add3A_130 = arith.constant 1 : i32
      %add3A_131 = arith.addi %mul3A_129, %add3A_130 : i32
      %get3A_132 = arith.index_cast %add3A_131 : i32 to index
      %get3A_133 = arith.constant 48 : index
      %get3A_134 = tpu.vector_load %arg6[%get3A_132, %get3A_133] {strides = array<i32>} : memref<256x128xf32, #tpu.memory_space<vmem>>, vector<1x16xf32>,
      %get3A_135 = vector.shape_cast %get3A_134 : vector<1x16xf32> to vector<16xf32>
      %add3A_136 = arith.addf %get3A_127, %get3A_135 : vector<16xf32>
      %mul3A_137 = arith.constant 8 : i32
      %mul3A_138 = arith.muli %scan3A_46, %mul3A_137 : i32
      %add3A_139 = arith.constant 2 : i32
      %add3A_140 = arith.addi %mul3A_138, %add3A_139 : i32
      %get3A_141 = arith.index_cast %add3A_140 : i32 to index
      %get3A_142 = arith.constant 80 : index
      %get3A_143 = tpu.vector_load %arg6[%get3A_141, %get3A_142] {strides = array<i32>} : memref<256x128xf32, #tpu.memory_space<vmem>>, vector<1x16xf32>,
      %get3A_144 = vector.shape_cast %get3A_143 : vector<1x16xf32> to vector<16xf32>
      %add3A_145 = arith.addf %add3A_136, %get3A_144 : vector<16xf32>
      %mul3A_146 = arith.constant 8 : i32
      %mul3A_147 = arith.muli %scan3A_46, %mul3A_146 : i32
      %add3A_148 = arith.constant 3 : i32
      %add3A_149 = arith.addi %mul3A_147, %add3A_148 : i32
      %get3A_150 = arith.index_cast %add3A_149 : i32 to index
      %get3A_151 = arith.constant 112 : index
      %get3A_152 = tpu.vector_load %arg6[%get3A_150, %get3A_151] {strides = array<i32>} : memref<256x128xf32, #tpu.memory_space<vmem>>, vector<1x16xf32>,
      %get3A_153 = vector.shape_cast %get3A_152 : vector<1x16xf32> to vector<16xf32>
      %add3A_154 = arith.addf %add3A_145, %get3A_153 : vector<16xf32>
      %mul3A_155 = arith.constant 8 : i32
      %mul3A_156 = arith.muli %scan3A_46, %mul3A_155 : i32
      %add3A_157 = arith.constant 4 : i32
      %add3A_158 = arith.addi %mul3A_156, %add3A_157 : i32
      %get3A_159 = arith.index_cast %add3A_158 : i32 to index
      %get3A_160 = arith.constant 16 : index
      %get3A_161 = tpu.vector_load %arg6[%get3A_159, %get3A_160] {strides = array<i32>} : memref<256x128xf32, #tpu.memory_space<vmem>>, vector<1x16xf32>,
      %get3A_162 = vector.shape_cast %get3A_161 : vector<1x16xf32> to vector<16xf32>
      %add3A_163 = arith.addf %add3A_154, %get3A_162 : vector<16xf32>
      %mul3A_164 = arith.constant 8 : i32
      %mul3A_165 = arith.muli %scan3A_46, %mul3A_164 : i32
      %add3A_166 = arith.constant 5 : i32
      %add3A_167 = arith.addi %mul3A_165, %add3A_166 : i32
      %get3A_168 = arith.index_cast %add3A_167 : i32 to index
      %get3A_169 = arith.constant 48 : index
      %get3A_170 = tpu.vector_load %arg6[%get3A_168, %get3A_169] {strides = array<i32>} : memref<256x128xf32, #tpu.memory_space<vmem>>, vector<1x16xf32>,
      %get3A_171 = vector.shape_cast %get3A_170 : vector<1x16xf32> to vector<16xf32>
      %add3A_172 = arith.addf %add3A_163, %get3A_171 : vector<16xf32>
      %mul3A_173 = arith.constant 8 : i32
      %mul3A_174 = arith.muli %scan3A_46, %mul3A_173 : i32
      %add3A_175 = arith.constant 6 : i32
      %add3A_176 = arith.addi %mul3A_174, %add3A_175 : i32
      %get3A_177 = arith.index_cast %add3A_176 : i32 to index
      %get3A_178 = arith.constant 80 : index
      %get3A_179 = tpu.vector_load %arg6[%get3A_177, %get3A_178] {strides = array<i32>} : memref<256x128xf32, #tpu.memory_space<vmem>>, vector<1x16xf32>,
      %get3A_180 = vector.shape_cast %get3A_179 : vector<1x16xf32> to vector<16xf32>
      %add3A_181 = arith.addf %add3A_172, %get3A_180 : vector<16xf32>
      %mul3A_182 = arith.constant 8 : i32
      %mul3A_183 = arith.muli %scan3A_46, %mul3A_182 : i32
      %add3A_184 = arith.constant 7 : i32
      %add3A_185 = arith.addi %mul3A_183, %add3A_184 : i32
      %get3A_186 = arith.index_cast %add3A_185 : i32 to index
      %get3A_187 = arith.constant 112 : index
      %get3A_188 = tpu.vector_load %arg6[%get3A_186, %get3A_187] {strides = array<i32>} : memref<256x128xf32, #tpu.memory_space<vmem>>, vector<1x16xf32>,
      %get3A_189 = vector.shape_cast %get3A_188 : vector<1x16xf32> to vector<16xf32>
      %add3A_190 = arith.addf %add3A_181, %get3A_189 : vector<16xf32>
      %mul3A_191 = arith.constant 1.250000e-01 : f32
      %mul3A_192 = vector.broadcast %mul3A_191 : f32 to vector<16xf32>
      %mul3A_193 = arith.mulf %add3A_190, %mul3A_192 : vector<16xf32>
      %swap3A_194 = arith.index_cast %scan3A_46 : i32 to index
      %swap3A_195 = arith.constant 16 : index
      %swap3A_196 = tpu.vector_load %arg7[%swap3A_194, %swap3A_195] {strides = array<i32>} : memref<32x32xf32, #tpu.memory_space<vmem>>, vector<1x16xf32>,
      %swap3A_197 = vector.shape_cast %swap3A_196 : vector<1x16xf32> to vector<16xf32>
      %swap3A_198 = vector.shape_cast %mul3A_193 : vector<16xf32> to vector<1x16xf32>
      tpu.vector_store %arg7[%swap3A_194, %swap3A_195], %swap3A_198 {strides = array<i32>} : memref<32x32xf32, #tpu.memory_space<vmem>>, vector<1x16xf32>,
    }
    %scan3A_43 = arith.constant 32 : i32
    %mul3A_44 = arith.constant 32 : i32
    %mul3A_45 = arith.muli %add3A, %mul3A_44 : i32
    "tpu.region"() ({
      %run_scoped3A = tpu.sem_alloc : memref<!tpu.dma_semaphore, #tpu.memory_space<semaphore_mem>>
      %dma_start3A_46 = arith.constant 0 : i32
      %dma_start3A_47 = tpu.memref_slice %arg4[%mul3A_45, %dma_start3A_46] : memref<1024x32xf32, #tpu.memory_space<hbm>> -> memref<32x32xf32, #tpu.memory_space<hbm>>
      %dma_start3A_48 = arith.constant 0 : i32
      %dma_start3A_49 = tpu.memref_slice %arg4[%mul3A_45, %dma_start3A_48] : memref<1024x32xf32, #tpu.memory_space<hbm>> -> memref<32x32xf32, #tpu.memory_space<hbm>>
      tpu.enqueue_dma source(%arg7 : memref<32x32xf32, #tpu.memory_space<vmem>>) target(%dma_start3A_49 : memref<32x32xf32, #tpu.memory_space<hbm>>) target_semaphore(%run_scoped3A : memref<!tpu.dma_semaphore, #tpu.memory_space<semaphore_mem>>)
      %dma_wait3A_50 = arith.constant 0 : i32
      %dma_wait3A_51 = tpu.memref_slice %arg4[%mul3A_45, %dma_wait3A_50] : memref<1024x32xf32, #tpu.memory_space<hbm>> -> memref<32x32xf32, #tpu.memory_space<hbm>>
      %dma_wait3A_52 = arith.constant 0 : i32
      %dma_wait3A_53 = tpu.memref_slice %arg4[%mul3A_45, %dma_wait3A_52] : memref<1024x32xf32, #tpu.memory_space<hbm>> -> memref<32x32xf32, #tpu.memory_space<hbm>>
      tpu.wait_dma2 semaphore(%run_scoped3A : memref<!tpu.dma_semaphore, #tpu.memory_space<semaphore_mem>>) src(%arg7 : memref<32x32xf32, #tpu.memory_space<vmem>>) dst(%dma_wait3A_53 : memref<32x32xf32, #tpu.memory_space<hbm>>)
      tpu.yield
    }) : () -> ()
    return
  }
}

module attributes {stable_mosaic.version = 14 : i64} {
  func.func @_merge_kernel(%arg0: memref<400x1024xf32, #tpu.memory_space<vmem>>, %arg1: memref<400x1024xi32, #tpu.memory_space<vmem>>, %arg2: memref<8x1024xi32, #tpu.memory_space<vmem>>) attributes {dimension_semantics = [], scalar_prefetch = 0 : i64, scratch_operands = 0 : i64, tpu.core_type = #tpu.core_type<tc>} {
    %get3A = arith.constant 0 : index
    %get3A_0 = arith.constant 0 : index
    %get3A_1 = vector.load %arg0[%get3A, %get3A_0] : memref<400x1024xf32, #tpu.memory_space<vmem>>, vector<400x1024xf32>
    %get3A_2 = arith.constant 0 : index
    %get3A_3 = arith.constant 0 : index
    %get3A_4 = vector.load %arg1[%get3A_2, %get3A_3] : memref<400x1024xi32, #tpu.memory_space<vmem>>, vector<400x1024xi32>
    %reduce_min3A = arith.constant dense<0x7F800000> : vector<1024xf32>
    %reduce_min3A_5 = vector.multi_reduction <minimumf>, %get3A_1, %reduce_min3A [0] : vector<400x1024xf32> to vector<1024xf32>
    %broadcast_in_dim3A = vector.shape_cast %reduce_min3A_5 : vector<1024xf32> to vector<1x1024xf32>
    %eq3A = vector.broadcast %broadcast_in_dim3A : vector<1x1024xf32> to vector<400x1024xf32>
    %eq3A_6 = arith.cmpf oeq, %get3A_1, %eq3A : vector<400x1024xf32>
    %jit3A = arith.constant 1073741824 : i32
    %broadcast_in_dim3A_7 = vector.broadcast %jit3A : i32 to vector<400x1024xi32>
    %select_n3A = arith.select %eq3A_6, %get3A_4, %broadcast_in_dim3A_7 : vector<400x1024xi1>, vector<400x1024xi32>
    %reduce_min3A_8 = arith.constant dense<2147483647> : vector<1024xi32>
    %reduce_min3A_9 = vector.multi_reduction <minsi>, %select_n3A, %reduce_min3A_8 [0] : vector<400x1024xi32> to vector<1024xi32>
    %mul3A = arith.constant 2 : i32
    %mul3A_10 = vector.broadcast %mul3A : i32 to vector<1024xi32>
    %mul3A_11 = arith.muli %reduce_min3A_9, %mul3A_10 : vector<1024xi32>
    %add3A = arith.constant 0 : i32
    %add3A_12 = vector.broadcast %add3A : i32 to vector<1024xi32>
    %add3A_13 = arith.addi %mul3A_11, %add3A_12 : vector<1024xi32>
    %swap3A = arith.constant 0 : index
    %swap3A_14 = arith.constant 0 : index
    %swap3A_15 = vector.load %arg2[%swap3A, %swap3A_14] : memref<8x1024xi32, #tpu.memory_space<vmem>>, vector<1x1024xi32>
    %swap3A_16 = vector.shape_cast %swap3A_15 : vector<1x1024xi32> to vector<1024xi32>
    %swap3A_17 = vector.shape_cast %add3A_13 : vector<1024xi32> to vector<1x1024xi32>
    tpu.vector_store %arg2[%swap3A, %swap3A_14], %swap3A_17 {strides = array<i32>} : memref<8x1024xi32, #tpu.memory_space<vmem>>, vector<1x1024xi32>,
    %broadcast_in_dim3A_18 = vector.shape_cast %reduce_min3A_9 : vector<1024xi32> to vector<1x1024xi32>
    %eq3A_19 = vector.broadcast %broadcast_in_dim3A_18 : vector<1x1024xi32> to vector<400x1024xi32>
    %eq3A_20 = arith.cmpi eq, %get3A_4, %eq3A_19 : vector<400x1024xi32>
    %jit3A_21 = arith.constant 0x7F800000 : f32
    %broadcast_in_dim3A_22 = vector.broadcast %jit3A_21 : f32 to vector<400x1024xf32>
    %select_n3A_23 = arith.select %eq3A_20, %broadcast_in_dim3A_22, %get3A_1 : vector<400x1024xi1>, vector<400x1024xf32>
    %reduce_min3A_24 = arith.constant dense<0x7F800000> : vector<1024xf32>
    %reduce_min3A_25 = vector.multi_reduction <minimumf>, %select_n3A_23, %reduce_min3A_24 [0] : vector<400x1024xf32> to vector<1024xf32>
    %broadcast_in_dim3A_26 = vector.shape_cast %reduce_min3A_25 : vector<1024xf32> to vector<1x1024xf32>
    %eq3A_27 = vector.broadcast %broadcast_in_dim3A_26 : vector<1x1024xf32> to vector<400x1024xf32>
    %eq3A_28 = arith.cmpf oeq, %select_n3A_23, %eq3A_27 : vector<400x1024xf32>
    %jit3A_29 = arith.constant 1073741824 : i32
    %broadcast_in_dim3A_30 = vector.broadcast %jit3A_29 : i32 to vector<400x1024xi32>
    %select_n3A_31 = arith.select %eq3A_28, %get3A_4, %broadcast_in_dim3A_30 : vector<400x1024xi1>, vector<400x1024xi32>
    %reduce_min3A_32 = arith.constant dense<2147483647> : vector<1024xi32>
    %reduce_min3A_33 = vector.multi_reduction <minsi>, %select_n3A_31, %reduce_min3A_32 [0] : vector<400x1024xi32> to vector<1024xi32>
    %mul3A_34 = arith.constant 2 : i32
    %mul3A_35 = vector.broadcast %mul3A_34 : i32 to vector<1024xi32>
    %mul3A_36 = arith.muli %reduce_min3A_33, %mul3A_35 : vector<1024xi32>
    %add3A_37 = arith.constant 0 : i32
    %add3A_38 = vector.broadcast %add3A_37 : i32 to vector<1024xi32>
    %add3A_39 = arith.addi %mul3A_36, %add3A_38 : vector<1024xi32>
    %swap3A_40 = arith.constant 1 : index
    %swap3A_41 = arith.constant 0 : index
    %swap3A_42 = vector.load %arg2[%swap3A_40, %swap3A_41] : memref<8x1024xi32, #tpu.memory_space<vmem>>, vector<1x1024xi32>
    %swap3A_43 = vector.shape_cast %swap3A_42 : vector<1x1024xi32> to vector<1024xi32>
    %swap3A_44 = vector.shape_cast %add3A_39 : vector<1024xi32> to vector<1x1024xi32>
    tpu.vector_store %arg2[%swap3A_40, %swap3A_41], %swap3A_44 {strides = array<i32>} : memref<8x1024xi32, #tpu.memory_space<vmem>>, vector<1x1024xi32>,
    %broadcast_in_dim3A_45 = vector.shape_cast %reduce_min3A_33 : vector<1024xi32> to vector<1x1024xi32>
    %eq3A_46 = vector.broadcast %broadcast_in_dim3A_45 : vector<1x1024xi32> to vector<400x1024xi32>
    %eq3A_47 = arith.cmpi eq, %get3A_4, %eq3A_46 : vector<400x1024xi32>
    %jit3A_48 = arith.constant 0x7F800000 : f32
    %broadcast_in_dim3A_49 = vector.broadcast %jit3A_48 : f32 to vector<400x1024xf32>
    %select_n3A_50 = arith.select %eq3A_47, %broadcast_in_dim3A_49, %select_n3A_23 : vector<400x1024xi1>, vector<400x1024xf32>
    %reduce_min3A_51 = arith.constant dense<0x7F800000> : vector<1024xf32>
    %reduce_min3A_52 = vector.multi_reduction <minimumf>, %select_n3A_50, %reduce_min3A_51 [0] : vector<400x1024xf32> to vector<1024xf32>
    %broadcast_in_dim3A_53 = vector.shape_cast %reduce_min3A_52 : vector<1024xf32> to vector<1x1024xf32>
    %eq3A_54 = vector.broadcast %broadcast_in_dim3A_53 : vector<1x1024xf32> to vector<400x1024xf32>
    %eq3A_55 = arith.cmpf oeq, %select_n3A_50, %eq3A_54 : vector<400x1024xf32>
    %jit3A_56 = arith.constant 1073741824 : i32
    %broadcast_in_dim3A_57 = vector.broadcast %jit3A_56 : i32 to vector<400x1024xi32>
    %select_n3A_58 = arith.select %eq3A_55, %get3A_4, %broadcast_in_dim3A_57 : vector<400x1024xi1>, vector<400x1024xi32>
    %reduce_min3A_59 = arith.constant dense<2147483647> : vector<1024xi32>
    %reduce_min3A_60 = vector.multi_reduction <minsi>, %select_n3A_58, %reduce_min3A_59 [0] : vector<400x1024xi32> to vector<1024xi32>
    %mul3A_61 = arith.constant 2 : i32
    %mul3A_62 = vector.broadcast %mul3A_61 : i32 to vector<1024xi32>
    %mul3A_63 = arith.muli %reduce_min3A_60, %mul3A_62 : vector<1024xi32>
    %add3A_64 = arith.constant 0 : i32
    %add3A_65 = vector.broadcast %add3A_64 : i32 to vector<1024xi32>
    %add3A_66 = arith.addi %mul3A_63, %add3A_65 : vector<1024xi32>
    %swap3A_67 = arith.constant 2 : index
    %swap3A_68 = arith.constant 0 : index
    %swap3A_69 = vector.load %arg2[%swap3A_67, %swap3A_68] : memref<8x1024xi32, #tpu.memory_space<vmem>>, vector<1x1024xi32>
    %swap3A_70 = vector.shape_cast %swap3A_69 : vector<1x1024xi32> to vector<1024xi32>
    %swap3A_71 = vector.shape_cast %add3A_66 : vector<1024xi32> to vector<1x1024xi32>
    tpu.vector_store %arg2[%swap3A_67, %swap3A_68], %swap3A_71 {strides = array<i32>} : memref<8x1024xi32, #tpu.memory_space<vmem>>, vector<1x1024xi32>,
    %broadcast_in_dim3A_72 = vector.shape_cast %reduce_min3A_60 : vector<1024xi32> to vector<1x1024xi32>
    %eq3A_73 = vector.broadcast %broadcast_in_dim3A_72 : vector<1x1024xi32> to vector<400x1024xi32>
    %eq3A_74 = arith.cmpi eq, %get3A_4, %eq3A_73 : vector<400x1024xi32>
    %jit3A_75 = arith.constant 0x7F800000 : f32
    %broadcast_in_dim3A_76 = vector.broadcast %jit3A_75 : f32 to vector<400x1024xf32>
    %select_n3A_77 = arith.select %eq3A_74, %broadcast_in_dim3A_76, %select_n3A_50 : vector<400x1024xi1>, vector<400x1024xf32>
    %reduce_min3A_78 = arith.constant dense<0x7F800000> : vector<1024xf32>
    %reduce_min3A_79 = vector.multi_reduction <minimumf>, %select_n3A_77, %reduce_min3A_78 [0] : vector<400x1024xf32> to vector<1024xf32>
    %broadcast_in_dim3A_80 = vector.shape_cast %reduce_min3A_79 : vector<1024xf32> to vector<1x1024xf32>
    %eq3A_81 = vector.broadcast %broadcast_in_dim3A_80 : vector<1x1024xf32> to vector<400x1024xf32>
    %eq3A_82 = arith.cmpf oeq, %select_n3A_77, %eq3A_81 : vector<400x1024xf32>
    %jit3A_83 = arith.constant 1073741824 : i32
    %broadcast_in_dim3A_84 = vector.broadcast %jit3A_83 : i32 to vector<400x1024xi32>
    %select_n3A_85 = arith.select %eq3A_82, %get3A_4, %broadcast_in_dim3A_84 : vector<400x1024xi1>, vector<400x1024xi32>
    %reduce_min3A_86 = arith.constant dense<2147483647> : vector<1024xi32>
    %reduce_min3A_87 = vector.multi_reduction <minsi>, %select_n3A_85, %reduce_min3A_86 [0] : vector<400x1024xi32> to vector<1024xi32>
    %mul3A_88 = arith.constant 2 : i32
    %mul3A_89 = vector.broadcast %mul3A_88 : i32 to vector<1024xi32>
    %mul3A_90 = arith.muli %reduce_min3A_87, %mul3A_89 : vector<1024xi32>
    %add3A_91 = arith.constant 0 : i32
    %add3A_92 = vector.broadcast %add3A_91 : i32 to vector<1024xi32>
    %add3A_93 = arith.addi %mul3A_90, %add3A_92 : vector<1024xi32>
    %swap3A_94 = arith.constant 3 : index
    %swap3A_95 = arith.constant 0 : index
    %swap3A_96 = vector.load %arg2[%swap3A_94, %swap3A_95] : memref<8x1024xi32, #tpu.memory_space<vmem>>, vector<1x1024xi32>
    %swap3A_97 = vector.shape_cast %swap3A_96 : vector<1x1024xi32> to vector<1024xi32>
    %swap3A_98 = vector.shape_cast %add3A_93 : vector<1024xi32> to vector<1x1024xi32>
    tpu.vector_store %arg2[%swap3A_94, %swap3A_95], %swap3A_98 {strides = array<i32>} : memref<8x1024xi32, #tpu.memory_space<vmem>>, vector<1x1024xi32>,
    %broadcast_in_dim3A_99 = vector.shape_cast %reduce_min3A_87 : vector<1024xi32> to vector<1x1024xi32>
    %eq3A_100 = vector.broadcast %broadcast_in_dim3A_99 : vector<1x1024xi32> to vector<400x1024xi32>
    %eq3A_101 = arith.cmpi eq, %get3A_4, %eq3A_100 : vector<400x1024xi32>
    %jit3A_102 = arith.constant 0x7F800000 : f32
    %broadcast_in_dim3A_103 = vector.broadcast %jit3A_102 : f32 to vector<400x1024xf32>
    %select_n3A_104 = arith.select %eq3A_101, %broadcast_in_dim3A_103, %select_n3A_77 : vector<400x1024xi1>, vector<400x1024xf32>
    %reduce_min3A_105 = arith.constant dense<0x7F800000> : vector<1024xf32>
    %reduce_min3A_106 = vector.multi_reduction <minimumf>, %select_n3A_104, %reduce_min3A_105 [0] : vector<400x1024xf32> to vector<1024xf32>
    %broadcast_in_dim3A_107 = vector.shape_cast %reduce_min3A_106 : vector<1024xf32> to vector<1x1024xf32>
    %eq3A_108 = vector.broadcast %broadcast_in_dim3A_107 : vector<1x1024xf32> to vector<400x1024xf32>
    %eq3A_109 = arith.cmpf oeq, %select_n3A_104, %eq3A_108 : vector<400x1024xf32>
    %jit3A_110 = arith.constant 1073741824 : i32
    %broadcast_in_dim3A_111 = vector.broadcast %jit3A_110 : i32 to vector<400x1024xi32>
    %select_n3A_112 = arith.select %eq3A_109, %get3A_4, %broadcast_in_dim3A_111 : vector<400x1024xi1>, vector<400x1024xi32>
    %reduce_min3A_113 = arith.constant dense<2147483647> : vector<1024xi32>
    %reduce_min3A_114 = vector.multi_reduction <minsi>, %select_n3A_112, %reduce_min3A_113 [0] : vector<400x1024xi32> to vector<1024xi32>
    %mul3A_115 = arith.constant 2 : i32
    %mul3A_116 = vector.broadcast %mul3A_115 : i32 to vector<1024xi32>
    %mul3A_117 = arith.muli %reduce_min3A_114, %mul3A_116 : vector<1024xi32>
    %add3A_118 = arith.constant 1 : i32
    %add3A_119 = vector.broadcast %add3A_118 : i32 to vector<1024xi32>
    %add3A_120 = arith.addi %mul3A_117, %add3A_119 : vector<1024xi32>
    %swap3A_121 = arith.constant 4 : index
    %swap3A_122 = arith.constant 0 : index
    %swap3A_123 = vector.load %arg2[%swap3A_121, %swap3A_122] : memref<8x1024xi32, #tpu.memory_space<vmem>>, vector<1x1024xi32>
    %swap3A_124 = vector.shape_cast %swap3A_123 : vector<1x1024xi32> to vector<1024xi32>
    %swap3A_125 = vector.shape_cast %add3A_120 : vector<1024xi32> to vector<1x1024xi32>
    tpu.vector_store %arg2[%swap3A_121, %swap3A_122], %swap3A_125 {strides = array<i32>} : memref<8x1024xi32, #tpu.memory_space<vmem>>, vector<1x1024xi32>,
    %broadcast_in_dim3A_126 = vector.shape_cast %reduce_min3A_114 : vector<1024xi32> to vector<1x1024xi32>
    %eq3A_127 = vector.broadcast %broadcast_in_dim3A_126 : vector<1x1024xi32> to vector<400x1024xi32>
    %eq3A_128 = arith.cmpi eq, %get3A_4, %eq3A_127 : vector<400x1024xi32>
    %jit3A_129 = arith.constant 0x7F800000 : f32
    %broadcast_in_dim3A_130 = vector.broadcast %jit3A_129 : f32 to vector<400x1024xf32>
    %select_n3A_131 = arith.select %eq3A_128, %broadcast_in_dim3A_130, %select_n3A_104 : vector<400x1024xi1>, vector<400x1024xf32>
    %reduce_min3A_132 = arith.constant dense<0x7F800000> : vector<1024xf32>
    %reduce_min3A_133 = vector.multi_reduction <minimumf>, %select_n3A_131, %reduce_min3A_132 [0] : vector<400x1024xf32> to vector<1024xf32>
    %broadcast_in_dim3A_134 = vector.shape_cast %reduce_min3A_133 : vector<1024xf32> to vector<1x1024xf32>
    %eq3A_135 = vector.broadcast %broadcast_in_dim3A_134 : vector<1x1024xf32> to vector<400x1024xf32>
    %eq3A_136 = arith.cmpf oeq, %select_n3A_131, %eq3A_135 : vector<400x1024xf32>
    %jit3A_137 = arith.constant 1073741824 : i32
    %broadcast_in_dim3A_138 = vector.broadcast %jit3A_137 : i32 to vector<400x1024xi32>
    %select_n3A_139 = arith.select %eq3A_136, %get3A_4, %broadcast_in_dim3A_138 : vector<400x1024xi1>, vector<400x1024xi32>
    %reduce_min3A_140 = arith.constant dense<2147483647> : vector<1024xi32>
    %reduce_min3A_141 = vector.multi_reduction <minsi>, %select_n3A_139, %reduce_min3A_140 [0] : vector<400x1024xi32> to vector<1024xi32>
    %mul3A_142 = arith.constant 2 : i32
    %mul3A_143 = vector.broadcast %mul3A_142 : i32 to vector<1024xi32>
    %mul3A_144 = arith.muli %reduce_min3A_141, %mul3A_143 : vector<1024xi32>
    %add3A_145 = arith.constant 1 : i32
    %add3A_146 = vector.broadcast %add3A_145 : i32 to vector<1024xi32>
    %add3A_147 = arith.addi %mul3A_144, %add3A_146 : vector<1024xi32>
    %swap3A_148 = arith.constant 5 : index
    %swap3A_149 = arith.constant 0 : index
    %swap3A_150 = vector.load %arg2[%swap3A_148, %swap3A_149] : memref<8x1024xi32, #tpu.memory_space<vmem>>, vector<1x1024xi32>
    %swap3A_151 = vector.shape_cast %swap3A_150 : vector<1x1024xi32> to vector<1024xi32>
    %swap3A_152 = vector.shape_cast %add3A_147 : vector<1024xi32> to vector<1x1024xi32>
    tpu.vector_store %arg2[%swap3A_148, %swap3A_149], %swap3A_152 {strides = array<i32>} : memref<8x1024xi32, #tpu.memory_space<vmem>>, vector<1x1024xi32>,
    %broadcast_in_dim3A_153 = vector.shape_cast %reduce_min3A_141 : vector<1024xi32> to vector<1x1024xi32>
    %eq3A_154 = vector.broadcast %broadcast_in_dim3A_153 : vector<1x1024xi32> to vector<400x1024xi32>
    %eq3A_155 = arith.cmpi eq, %get3A_4, %eq3A_154 : vector<400x1024xi32>
    %jit3A_156 = arith.constant 0x7F800000 : f32
    %broadcast_in_dim3A_157 = vector.broadcast %jit3A_156 : f32 to vector<400x1024xf32>
    %select_n3A_158 = arith.select %eq3A_155, %broadcast_in_dim3A_157, %select_n3A_131 : vector<400x1024xi1>, vector<400x1024xf32>
    %reduce_min3A_159 = arith.constant dense<0x7F800000> : vector<1024xf32>
    %reduce_min3A_160 = vector.multi_reduction <minimumf>, %select_n3A_158, %reduce_min3A_159 [0] : vector<400x1024xf32> to vector<1024xf32>
    %broadcast_in_dim3A_161 = vector.shape_cast %reduce_min3A_160 : vector<1024xf32> to vector<1x1024xf32>
    %eq3A_162 = vector.broadcast %broadcast_in_dim3A_161 : vector<1x1024xf32> to vector<400x1024xf32>
    %eq3A_163 = arith.cmpf oeq, %select_n3A_158, %eq3A_162 : vector<400x1024xf32>
    %jit3A_164 = arith.constant 1073741824 : i32
    %broadcast_in_dim3A_165 = vector.broadcast %jit3A_164 : i32 to vector<400x1024xi32>
    %select_n3A_166 = arith.select %eq3A_163, %get3A_4, %broadcast_in_dim3A_165 : vector<400x1024xi1>, vector<400x1024xi32>
    %reduce_min3A_167 = arith.constant dense<2147483647> : vector<1024xi32>
    %reduce_min3A_168 = vector.multi_reduction <minsi>, %select_n3A_166, %reduce_min3A_167 [0] : vector<400x1024xi32> to vector<1024xi32>
    %mul3A_169 = arith.constant 2 : i32
    %mul3A_170 = vector.broadcast %mul3A_169 : i32 to vector<1024xi32>
    %mul3A_171 = arith.muli %reduce_min3A_168, %mul3A_170 : vector<1024xi32>
    %add3A_172 = arith.constant 1 : i32
    %add3A_173 = vector.broadcast %add3A_172 : i32 to vector<1024xi32>
    %add3A_174 = arith.addi %mul3A_171, %add3A_173 : vector<1024xi32>
    %swap3A_175 = arith.constant 6 : index
    %swap3A_176 = arith.constant 0 : index
    %swap3A_177 = vector.load %arg2[%swap3A_175, %swap3A_176] : memref<8x1024xi32, #tpu.memory_space<vmem>>, vector<1x1024xi32>
    %swap3A_178 = vector.shape_cast %swap3A_177 : vector<1x1024xi32> to vector<1024xi32>
    %swap3A_179 = vector.shape_cast %add3A_174 : vector<1024xi32> to vector<1x1024xi32>
    tpu.vector_store %arg2[%swap3A_175, %swap3A_176], %swap3A_179 {strides = array<i32>} : memref<8x1024xi32, #tpu.memory_space<vmem>>, vector<1x1024xi32>,
    %broadcast_in_dim3A_180 = vector.shape_cast %reduce_min3A_168 : vector<1024xi32> to vector<1x1024xi32>
    %eq3A_181 = vector.broadcast %broadcast_in_dim3A_180 : vector<1x1024xi32> to vector<400x1024xi32>
    %eq3A_182 = arith.cmpi eq, %get3A_4, %eq3A_181 : vector<400x1024xi32>
    %jit3A_183 = arith.constant 0x7F800000 : f32
    %broadcast_in_dim3A_184 = vector.broadcast %jit3A_183 : f32 to vector<400x1024xf32>
    %select_n3A_185 = arith.select %eq3A_182, %broadcast_in_dim3A_184, %select_n3A_158 : vector<400x1024xi1>, vector<400x1024xf32>
    %reduce_min3A_186 = arith.constant dense<0x7F800000> : vector<1024xf32>
    %reduce_min3A_187 = vector.multi_reduction <minimumf>, %select_n3A_185, %reduce_min3A_186 [0] : vector<400x1024xf32> to vector<1024xf32>
    %broadcast_in_dim3A_188 = vector.shape_cast %reduce_min3A_187 : vector<1024xf32> to vector<1x1024xf32>
    %eq3A_189 = vector.broadcast %broadcast_in_dim3A_188 : vector<1x1024xf32> to vector<400x1024xf32>
    %eq3A_190 = arith.cmpf oeq, %select_n3A_185, %eq3A_189 : vector<400x1024xf32>
    %jit3A_191 = arith.constant 1073741824 : i32
    %broadcast_in_dim3A_192 = vector.broadcast %jit3A_191 : i32 to vector<400x1024xi32>
    %select_n3A_193 = arith.select %eq3A_190, %get3A_4, %broadcast_in_dim3A_192 : vector<400x1024xi1>, vector<400x1024xi32>
    %reduce_min3A_194 = arith.constant dense<2147483647> : vector<1024xi32>
    %reduce_min3A_195 = vector.multi_reduction <minsi>, %select_n3A_193, %reduce_min3A_194 [0] : vector<400x1024xi32> to vector<1024xi32>
    %mul3A_196 = arith.constant 2 : i32
    %mul3A_197 = vector.broadcast %mul3A_196 : i32 to vector<1024xi32>
    %mul3A_198 = arith.muli %reduce_min3A_195, %mul3A_197 : vector<1024xi32>
    %add3A_199 = arith.constant 1 : i32
    %add3A_200 = vector.broadcast %add3A_199 : i32 to vector<1024xi32>
    %add3A_201 = arith.addi %mul3A_198, %add3A_200 : vector<1024xi32>
    %swap3A_202 = arith.constant 7 : index
    %swap3A_203 = arith.constant 0 : index
    %swap3A_204 = vector.load %arg2[%swap3A_202, %swap3A_203] : memref<8x1024xi32, #tpu.memory_space<vmem>>, vector<1x1024xi32>
    %swap3A_205 = vector.shape_cast %swap3A_204 : vector<1x1024xi32> to vector<1024xi32>
    %swap3A_206 = vector.shape_cast %add3A_201 : vector<1024xi32> to vector<1x1024xi32>
    tpu.vector_store %arg2[%swap3A_202, %swap3A_203], %swap3A_206 {strides = array<i32>} : memref<8x1024xi32, #tpu.memory_space<vmem>>, vector<1x1024xi32>,
    return
  }
}

module attributes {stable_mosaic.version = 14 : i64} {
  func.func @_topk_tile_kernel(%arg0: i32, %arg1: memref<1024x128xf32, #tpu.memory_space<vmem>>, %arg2: memref<2000x128xf32, #tpu.memory_space<vmem>>, %arg3: memref<1x8x1024xf32, #tpu.memory_space<vmem>>, %arg4: memref<1x8x1024xi32, #tpu.memory_space<vmem>>) attributes {dimension_semantics = [#tpu.dimension_semantics<arbitrary>], iteration_bounds = array<i64: 50>, scalar_prefetch = 0 : i64, scratch_operands = 0 : i64, tpu.core_type = #tpu.core_type<tc>, window_params = [{pipeline_mode = #tpu.pipeline_mode<synchronous>, transform_indices = @transform_0, window_bounds = array<i64: 1024, 128>}, {transform_indices = @transform_1, window_bounds = array<i64: 2000, 128>}, {transform_indices = @transform_2, window_bounds = array<i64: 1, 8, 1024>}, {transform_indices = @transform_3, window_bounds = array<i64: 1, 8, 1024>}]} {
    %get3A = arith.constant 0 : index
    %get3A_0 = arith.constant 0 : index
    %get3A_1 = vector.load %arg1[%get3A, %get3A_0] : memref<1024x128xf32, #tpu.memory_space<vmem>>, vector<1024x128xf32>
    %get3A_2 = arith.constant 0 : index
    %get3A_3 = arith.constant 0 : index
    %get3A_4 = vector.load %arg2[%get3A_2, %get3A_3] : memref<2000x128xf32, #tpu.memory_space<vmem>>, vector<2000x128xf32>
    %dot_general3A = arith.constant dense<0.000000e+00> : vector<1024x2000xf32>
    %dot_general3A_5 = tpu.matmul %get3A_1, %get3A_4, %dot_general3A {dimension_numbers = #tpu.dot_dimension_numbers<[1], [1], [0], [0], [0, 0, 1, 0], [], []>, transpose_lhs_hint = false} : vector<1024x128xf32>, vector<2000x128xf32>, vector<1024x2000xf32> -> vector<1024x2000xf32>
    %mul3A = arith.mulf %get3A_1, %get3A_1 : vector<1024x128xf32>
    %reduce_sum3A = arith.constant dense<0.000000e+00> : vector<1024xf32>
    %reduce_sum3A_6 = vector.multi_reduction <add>, %mul3A, %reduce_sum3A [1] : vector<1024x128xf32> to vector<1024xf32>
    %broadcast_in_dim3A = vector.shape_cast %reduce_sum3A_6 : vector<1024xf32> to vector<1024x1xf32>
    %mul3A_7 = arith.mulf %get3A_4, %get3A_4 : vector<2000x128xf32>
    %reduce_sum3A_8 = arith.constant dense<0.000000e+00> : vector<2000xf32>
    %reduce_sum3A_9 = vector.multi_reduction <add>, %mul3A_7, %reduce_sum3A_8 [1] : vector<2000x128xf32> to vector<2000xf32>
    %broadcast_in_dim3A_10 = vector.shape_cast %reduce_sum3A_9 : vector<2000xf32> to vector<1x2000xf32>
    %add3A = vector.broadcast %broadcast_in_dim3A : vector<1024x1xf32> to vector<1024x2000xf32>
    %add3A_11 = vector.broadcast %broadcast_in_dim3A_10 : vector<1x2000xf32> to vector<1024x2000xf32>
    %add3A_12 = arith.addf %add3A, %add3A_11 : vector<1024x2000xf32>
    %mul3A_13 = arith.constant 2.000000e+00 : f32
    %mul3A_14 = vector.broadcast %mul3A_13 : f32 to vector<1024x2000xf32>
    %mul3A_15 = arith.mulf %mul3A_14, %dot_general3A_5 : vector<1024x2000xf32>
    %sub3A = arith.subf %add3A_12, %mul3A_15 : vector<1024x2000xf32>
    %max3A = arith.constant 0.000000e+00 : f32
    %max3A_16 = vector.broadcast %max3A : f32 to vector<1024x2000xf32>
    %max3A_17 = arith.maximumf %sub3A, %max3A_16 : vector<1024x2000xf32>
    %sqrt3A = math.sqrt %max3A_17 : vector<1024x2000xf32>
    %mul3A_18 = arith.constant 2000 : i32
    %mul3A_19 = arith.muli %arg0, %mul3A_18 : i32
    %iota3A = tpu.iota {dimensions = array<i32: 1>} : vector<1024x2000xi32>
    %reduce_min3A = arith.constant dense<0x7F800000> : vector<1024xf32>
    %reduce_min3A_20 = vector.multi_reduction <minimumf>, %sqrt3A, %reduce_min3A [1] : vector<1024x2000xf32> to vector<1024xf32>
    %broadcast_in_dim3A_21 = vector.shape_cast %reduce_min3A_20 : vector<1024xf32> to vector<1024x1xf32>
    %eq3A = vector.broadcast %broadcast_in_dim3A_21 : vector<1024x1xf32> to vector<1024x2000xf32>
    %eq3A_22 = arith.cmpf oeq, %sqrt3A, %eq3A : vector<1024x2000xf32>
    %jit3A = arith.constant 1073741824 : i32
    %broadcast_in_dim3A_23 = vector.broadcast %jit3A : i32 to vector<1024x2000xi32>
    %select_n3A = arith.select %eq3A_22, %iota3A, %broadcast_in_dim3A_23 : vector<1024x2000xi1>, vector<1024x2000xi32>
    %reduce_min3A_24 = arith.constant dense<2147483647> : vector<1024xi32>
    %reduce_min3A_25 = vector.multi_reduction <minsi>, %select_n3A, %reduce_min3A_24 [1] : vector<1024x2000xi32> to vector<1024xi32>
    %swap3A = arith.constant 0 : index
    %swap3A_26 = arith.constant 0 : index
    %swap3A_27 = arith.constant 0 : index
    %swap3A_28 = vector.load %arg3[%swap3A, %swap3A_26, %swap3A_27] : memref<1x8x1024xf32, #tpu.memory_space<vmem>>, vector<1x1x1024xf32>
    %swap3A_29 = vector.shape_cast %swap3A_28 : vector<1x1x1024xf32> to vector<1024xf32>
    %swap3A_30 = vector.shape_cast %reduce_min3A_20 : vector<1024xf32> to vector<1x1x1024xf32>
    tpu.vector_store %arg3[%swap3A, %swap3A_26, %swap3A_27], %swap3A_30 {strides = array<i32>} : memref<1x8x1024xf32, #tpu.memory_space<vmem>>, vector<1x1x1024xf32>,
    %add3A_31 = vector.broadcast %mul3A_19 : i32 to vector<1024xi32>
    %add3A_32 = arith.addi %reduce_min3A_25, %add3A_31 : vector<1024xi32>
    %swap3A_33 = arith.constant 0 : index
    %swap3A_34 = arith.constant 0 : index
    %swap3A_35 = arith.constant 0 : index
    %swap3A_36 = vector.load %arg4[%swap3A_33, %swap3A_34, %swap3A_35] : memref<1x8x1024xi32, #tpu.memory_space<vmem>>, vector<1x1x1024xi32>
    %swap3A_37 = vector.shape_cast %swap3A_36 : vector<1x1x1024xi32> to vector<1024xi32>
    %swap3A_38 = vector.shape_cast %add3A_32 : vector<1024xi32> to vector<1x1x1024xi32>
    tpu.vector_store %arg4[%swap3A_33, %swap3A_34, %swap3A_35], %swap3A_38 {strides = array<i32>} : memref<1x8x1024xi32, #tpu.memory_space<vmem>>, vector<1x1x1024xi32>,
    %broadcast_in_dim3A_39 = vector.shape_cast %reduce_min3A_25 : vector<1024xi32> to vector<1024x1xi32>
    %eq3A_40 = vector.broadcast %broadcast_in_dim3A_39 : vector<1024x1xi32> to vector<1024x2000xi32>
    %eq3A_41 = arith.cmpi eq, %iota3A, %eq3A_40 : vector<1024x2000xi32>
    %jit3A_42 = arith.constant 0x7F800000 : f32
    %broadcast_in_dim3A_43 = vector.broadcast %jit3A_42 : f32 to vector<1024x2000xf32>
    %select_n3A_44 = arith.select %eq3A_41, %broadcast_in_dim3A_43, %sqrt3A : vector<1024x2000xi1>, vector<1024x2000xf32>
    %reduce_min3A_45 = arith.constant dense<0x7F800000> : vector<1024xf32>
    %reduce_min3A_46 = vector.multi_reduction <minimumf>, %select_n3A_44, %reduce_min3A_45 [1] : vector<1024x2000xf32> to vector<1024xf32>
    %broadcast_in_dim3A_47 = vector.shape_cast %reduce_min3A_46 : vector<1024xf32> to vector<1024x1xf32>
    %eq3A_48 = vector.broadcast %broadcast_in_dim3A_47 : vector<1024x1xf32> to vector<1024x2000xf32>
    %eq3A_49 = arith.cmpf oeq, %select_n3A_44, %eq3A_48 : vector<1024x2000xf32>
    %jit3A_50 = arith.constant 1073741824 : i32
    %broadcast_in_dim3A_51 = vector.broadcast %jit3A_50 : i32 to vector<1024x2000xi32>
    %select_n3A_52 = arith.select %eq3A_49, %iota3A, %broadcast_in_dim3A_51 : vector<1024x2000xi1>, vector<1024x2000xi32>
    %reduce_min3A_53 = arith.constant dense<2147483647> : vector<1024xi32>
    %reduce_min3A_54 = vector.multi_reduction <minsi>, %select_n3A_52, %reduce_min3A_53 [1] : vector<1024x2000xi32> to vector<1024xi32>
    %swap3A_55 = arith.constant 0 : index
    %swap3A_56 = arith.constant 1 : index
    %swap3A_57 = arith.constant 0 : index
    %swap3A_58 = vector.load %arg3[%swap3A_55, %swap3A_56, %swap3A_57] : memref<1x8x1024xf32, #tpu.memory_space<vmem>>, vector<1x1x1024xf32>
    %swap3A_59 = vector.shape_cast %swap3A_58 : vector<1x1x1024xf32> to vector<1024xf32>
    %swap3A_60 = vector.shape_cast %reduce_min3A_46 : vector<1024xf32> to vector<1x1x1024xf32>
    tpu.vector_store %arg3[%swap3A_55, %swap3A_56, %swap3A_57], %swap3A_60 {strides = array<i32>} : memref<1x8x1024xf32, #tpu.memory_space<vmem>>, vector<1x1x1024xf32>,
    %add3A_61 = vector.broadcast %mul3A_19 : i32 to vector<1024xi32>
    %add3A_62 = arith.addi %reduce_min3A_54, %add3A_61 : vector<1024xi32>
    %swap3A_63 = arith.constant 0 : index
    %swap3A_64 = arith.constant 1 : index
    %swap3A_65 = arith.constant 0 : index
    %swap3A_66 = vector.load %arg4[%swap3A_63, %swap3A_64, %swap3A_65] : memref<1x8x1024xi32, #tpu.memory_space<vmem>>, vector<1x1x1024xi32>
    %swap3A_67 = vector.shape_cast %swap3A_66 : vector<1x1x1024xi32> to vector<1024xi32>
    %swap3A_68 = vector.shape_cast %add3A_62 : vector<1024xi32> to vector<1x1x1024xi32>
    tpu.vector_store %arg4[%swap3A_63, %swap3A_64, %swap3A_65], %swap3A_68 {strides = array<i32>} : memref<1x8x1024xi32, #tpu.memory_space<vmem>>, vector<1x1x1024xi32>,
    %broadcast_in_dim3A_69 = vector.shape_cast %reduce_min3A_54 : vector<1024xi32> to vector<1024x1xi32>
    %eq3A_70 = vector.broadcast %broadcast_in_dim3A_69 : vector<1024x1xi32> to vector<1024x2000xi32>
    %eq3A_71 = arith.cmpi eq, %iota3A, %eq3A_70 : vector<1024x2000xi32>
    %jit3A_72 = arith.constant 0x7F800000 : f32
    %broadcast_in_dim3A_73 = vector.broadcast %jit3A_72 : f32 to vector<1024x2000xf32>
    %select_n3A_74 = arith.select %eq3A_71, %broadcast_in_dim3A_73, %select_n3A_44 : vector<1024x2000xi1>, vector<1024x2000xf32>
    %reduce_min3A_75 = arith.constant dense<0x7F800000> : vector<1024xf32>
    %reduce_min3A_76 = vector.multi_reduction <minimumf>, %select_n3A_74, %reduce_min3A_75 [1] : vector<1024x2000xf32> to vector<1024xf32>
    %broadcast_in_dim3A_77 = vector.shape_cast %reduce_min3A_76 : vector<1024xf32> to vector<1024x1xf32>
    %eq3A_78 = vector.broadcast %broadcast_in_dim3A_77 : vector<1024x1xf32> to vector<1024x2000xf32>
    %eq3A_79 = arith.cmpf oeq, %select_n3A_74, %eq3A_78 : vector<1024x2000xf32>
    %jit3A_80 = arith.constant 1073741824 : i32
    %broadcast_in_dim3A_81 = vector.broadcast %jit3A_80 : i32 to vector<1024x2000xi32>
    %select_n3A_82 = arith.select %eq3A_79, %iota3A, %broadcast_in_dim3A_81 : vector<1024x2000xi1>, vector<1024x2000xi32>
    %reduce_min3A_83 = arith.constant dense<2147483647> : vector<1024xi32>
    %reduce_min3A_84 = vector.multi_reduction <minsi>, %select_n3A_82, %reduce_min3A_83 [1] : vector<1024x2000xi32> to vector<1024xi32>
    %swap3A_85 = arith.constant 0 : index
    %swap3A_86 = arith.constant 2 : index
    %swap3A_87 = arith.constant 0 : index
    %swap3A_88 = vector.load %arg3[%swap3A_85, %swap3A_86, %swap3A_87] : memref<1x8x1024xf32, #tpu.memory_space<vmem>>, vector<1x1x1024xf32>
    %swap3A_89 = vector.shape_cast %swap3A_88 : vector<1x1x1024xf32> to vector<1024xf32>
    %swap3A_90 = vector.shape_cast %reduce_min3A_76 : vector<1024xf32> to vector<1x1x1024xf32>
    tpu.vector_store %arg3[%swap3A_85, %swap3A_86, %swap3A_87], %swap3A_90 {strides = array<i32>} : memref<1x8x1024xf32, #tpu.memory_space<vmem>>, vector<1x1x1024xf32>,
    %add3A_91 = vector.broadcast %mul3A_19 : i32 to vector<1024xi32>
    %add3A_92 = arith.addi %reduce_min3A_84, %add3A_91 : vector<1024xi32>
    %swap3A_93 = arith.constant 0 : index
    %swap3A_94 = arith.constant 2 : index
    %swap3A_95 = arith.constant 0 : index
    %swap3A_96 = vector.load %arg4[%swap3A_93, %swap3A_94, %swap3A_95] : memref<1x8x1024xi32, #tpu.memory_space<vmem>>, vector<1x1x1024xi32>
    %swap3A_97 = vector.shape_cast %swap3A_96 : vector<1x1x1024xi32> to vector<1024xi32>
    %swap3A_98 = vector.shape_cast %add3A_92 : vector<1024xi32> to vector<1x1x1024xi32>
    tpu.vector_store %arg4[%swap3A_93, %swap3A_94, %swap3A_95], %swap3A_98 {strides = array<i32>} : memref<1x8x1024xi32, #tpu.memory_space<vmem>>, vector<1x1x1024xi32>,
    %broadcast_in_dim3A_99 = vector.shape_cast %reduce_min3A_84 : vector<1024xi32> to vector<1024x1xi32>
    %eq3A_100 = vector.broadcast %broadcast_in_dim3A_99 : vector<1024x1xi32> to vector<1024x2000xi32>
    %eq3A_101 = arith.cmpi eq, %iota3A, %eq3A_100 : vector<1024x2000xi32>
    %jit3A_102 = arith.constant 0x7F800000 : f32
    %broadcast_in_dim3A_103 = vector.broadcast %jit3A_102 : f32 to vector<1024x2000xf32>
    %select_n3A_104 = arith.select %eq3A_101, %broadcast_in_dim3A_103, %select_n3A_74 : vector<1024x2000xi1>, vector<1024x2000xf32>
    %reduce_min3A_105 = arith.constant dense<0x7F800000> : vector<1024xf32>
    %reduce_min3A_106 = vector.multi_reduction <minimumf>, %select_n3A_104, %reduce_min3A_105 [1] : vector<1024x2000xf32> to vector<1024xf32>
    %broadcast_in_dim3A_107 = vector.shape_cast %reduce_min3A_106 : vector<1024xf32> to vector<1024x1xf32>
    %eq3A_108 = vector.broadcast %broadcast_in_dim3A_107 : vector<1024x1xf32> to vector<1024x2000xf32>
    %eq3A_109 = arith.cmpf oeq, %select_n3A_104, %eq3A_108 : vector<1024x2000xf32>
    %jit3A_110 = arith.constant 1073741824 : i32
    %broadcast_in_dim3A_111 = vector.broadcast %jit3A_110 : i32 to vector<1024x2000xi32>
    %select_n3A_112 = arith.select %eq3A_109, %iota3A, %broadcast_in_dim3A_111 : vector<1024x2000xi1>, vector<1024x2000xi32>
    %reduce_min3A_113 = arith.constant dense<2147483647> : vector<1024xi32>
    %reduce_min3A_114 = vector.multi_reduction <minsi>, %select_n3A_112, %reduce_min3A_113 [1] : vector<1024x2000xi32> to vector<1024xi32>
    %swap3A_115 = arith.constant 0 : index
    %swap3A_116 = arith.constant 3 : index
    %swap3A_117 = arith.constant 0 : index
    %swap3A_118 = vector.load %arg3[%swap3A_115, %swap3A_116, %swap3A_117] : memref<1x8x1024xf32, #tpu.memory_space<vmem>>, vector<1x1x1024xf32>
    %swap3A_119 = vector.shape_cast %swap3A_118 : vector<1x1x1024xf32> to vector<1024xf32>
    %swap3A_120 = vector.shape_cast %reduce_min3A_106 : vector<1024xf32> to vector<1x1x1024xf32>
    tpu.vector_store %arg3[%swap3A_115, %swap3A_116, %swap3A_117], %swap3A_120 {strides = array<i32>} : memref<1x8x1024xf32, #tpu.memory_space<vmem>>, vector<1x1x1024xf32>,
    %add3A_121 = vector.broadcast %mul3A_19 : i32 to vector<1024xi32>
    %add3A_122 = arith.addi %reduce_min3A_114, %add3A_121 : vector<1024xi32>
    %swap3A_123 = arith.constant 0 : index
    %swap3A_124 = arith.constant 3 : index
    %swap3A_125 = arith.constant 0 : index
    %swap3A_126 = vector.load %arg4[%swap3A_123, %swap3A_124, %swap3A_125] : memref<1x8x1024xi32, #tpu.memory_space<vmem>>, vector<1x1x1024xi32>
    %swap3A_127 = vector.shape_cast %swap3A_126 : vector<1x1x1024xi32> to vector<1024xi32>
    %swap3A_128 = vector.shape_cast %add3A_122 : vector<1024xi32> to vector<1x1x1024xi32>
    tpu.vector_store %arg4[%swap3A_123, %swap3A_124, %swap3A_125], %swap3A_128 {strides = array<i32>} : memref<1x8x1024xi32, #tpu.memory_space<vmem>>, vector<1x1x1024xi32>,
    %broadcast_in_dim3A_129 = vector.shape_cast %reduce_min3A_114 : vector<1024xi32> to vector<1024x1xi32>
    %eq3A_130 = vector.broadcast %broadcast_in_dim3A_129 : vector<1024x1xi32> to vector<1024x2000xi32>
    %eq3A_131 = arith.cmpi eq, %iota3A, %eq3A_130 : vector<1024x2000xi32>
    %jit3A_132 = arith.constant 0x7F800000 : f32
    %broadcast_in_dim3A_133 = vector.broadcast %jit3A_132 : f32 to vector<1024x2000xf32>
    %select_n3A_134 = arith.select %eq3A_131, %broadcast_in_dim3A_133, %select_n3A_104 : vector<1024x2000xi1>, vector<1024x2000xf32>
    %reduce_min3A_135 = arith.constant dense<0x7F800000> : vector<1024xf32>
    %reduce_min3A_136 = vector.multi_reduction <minimumf>, %select_n3A_134, %reduce_min3A_135 [1] : vector<1024x2000xf32> to vector<1024xf32>
    %broadcast_in_dim3A_137 = vector.shape_cast %reduce_min3A_136 : vector<1024xf32> to vector<1024x1xf32>
    %eq3A_138 = vector.broadcast %broadcast_in_dim3A_137 : vector<1024x1xf32> to vector<1024x2000xf32>
    %eq3A_139 = arith.cmpf oeq, %select_n3A_134, %eq3A_138 : vector<1024x2000xf32>
    %jit3A_140 = arith.constant 1073741824 : i32
    %broadcast_in_dim3A_141 = vector.broadcast %jit3A_140 : i32 to vector<1024x2000xi32>
    %select_n3A_142 = arith.select %eq3A_139, %iota3A, %broadcast_in_dim3A_141 : vector<1024x2000xi1>, vector<1024x2000xi32>
    %reduce_min3A_143 = arith.constant dense<2147483647> : vector<1024xi32>
    %reduce_min3A_144 = vector.multi_reduction <minsi>, %select_n3A_142, %reduce_min3A_143 [1] : vector<1024x2000xi32> to vector<1024xi32>
    %swap3A_145 = arith.constant 0 : index
    %swap3A_146 = arith.constant 4 : index
    %swap3A_147 = arith.constant 0 : index
    %swap3A_148 = vector.load %arg3[%swap3A_145, %swap3A_146, %swap3A_147] : memref<1x8x1024xf32, #tpu.memory_space<vmem>>, vector<1x1x1024xf32>
    %swap3A_149 = vector.shape_cast %swap3A_148 : vector<1x1x1024xf32> to vector<1024xf32>
    %swap3A_150 = vector.shape_cast %reduce_min3A_136 : vector<1024xf32> to vector<1x1x1024xf32>
    tpu.vector_store %arg3[%swap3A_145, %swap3A_146, %swap3A_147], %swap3A_150 {strides = array<i32>} : memref<1x8x1024xf32, #tpu.memory_space<vmem>>, vector<1x1x1024xf32>,
    %add3A_151 = vector.broadcast %mul3A_19 : i32 to vector<1024xi32>
    %add3A_152 = arith.addi %reduce_min3A_144, %add3A_151 : vector<1024xi32>
    %swap3A_153 = arith.constant 0 : index
    %swap3A_154 = arith.constant 4 : index
    %swap3A_155 = arith.constant 0 : index
    %swap3A_156 = vector.load %arg4[%swap3A_153, %swap3A_154, %swap3A_155] : memref<1x8x1024xi32, #tpu.memory_space<vmem>>, vector<1x1x1024xi32>
    %swap3A_157 = vector.shape_cast %swap3A_156 : vector<1x1x1024xi32> to vector<1024xi32>
    %swap3A_158 = vector.shape_cast %add3A_152 : vector<1024xi32> to vector<1x1x1024xi32>
    tpu.vector_store %arg4[%swap3A_153, %swap3A_154, %swap3A_155], %swap3A_158 {strides = array<i32>} : memref<1x8x1024xi32, #tpu.memory_space<vmem>>, vector<1x1x1024xi32>,
    %broadcast_in_dim3A_159 = vector.shape_cast %reduce_min3A_144 : vector<1024xi32> to vector<1024x1xi32>
    %eq3A_160 = vector.broadcast %broadcast_in_dim3A_159 : vector<1024x1xi32> to vector<1024x2000xi32>
    %eq3A_161 = arith.cmpi eq, %iota3A, %eq3A_160 : vector<1024x2000xi32>
    %jit3A_162 = arith.constant 0x7F800000 : f32
    %broadcast_in_dim3A_163 = vector.broadcast %jit3A_162 : f32 to vector<1024x2000xf32>
    %select_n3A_164 = arith.select %eq3A_161, %broadcast_in_dim3A_163, %select_n3A_134 : vector<1024x2000xi1>, vector<1024x2000xf32>
    %reduce_min3A_165 = arith.constant dense<0x7F800000> : vector<1024xf32>
    %reduce_min3A_166 = vector.multi_reduction <minimumf>, %select_n3A_164, %reduce_min3A_165 [1] : vector<1024x2000xf32> to vector<1024xf32>
    %broadcast_in_dim3A_167 = vector.shape_cast %reduce_min3A_166 : vector<1024xf32> to vector<1024x1xf32>
    %eq3A_168 = vector.broadcast %broadcast_in_dim3A_167 : vector<1024x1xf32> to vector<1024x2000xf32>
    %eq3A_169 = arith.cmpf oeq, %select_n3A_164, %eq3A_168 : vector<1024x2000xf32>
    %jit3A_170 = arith.constant 1073741824 : i32
    %broadcast_in_dim3A_171 = vector.broadcast %jit3A_170 : i32 to vector<1024x2000xi32>
    %select_n3A_172 = arith.select %eq3A_169, %iota3A, %broadcast_in_dim3A_171 : vector<1024x2000xi1>, vector<1024x2000xi32>
    %reduce_min3A_173 = arith.constant dense<2147483647> : vector<1024xi32>
    %reduce_min3A_174 = vector.multi_reduction <minsi>, %select_n3A_172, %reduce_min3A_173 [1] : vector<1024x2000xi32> to vector<1024xi32>
    %swap3A_175 = arith.constant 0 : index
    %swap3A_176 = arith.constant 5 : index
    %swap3A_177 = arith.constant 0 : index
    %swap3A_178 = vector.load %arg3[%swap3A_175, %swap3A_176, %swap3A_177] : memref<1x8x1024xf32, #tpu.memory_space<vmem>>, vector<1x1x1024xf32>
    %swap3A_179 = vector.shape_cast %swap3A_178 : vector<1x1x1024xf32> to vector<1024xf32>
    %swap3A_180 = vector.shape_cast %reduce_min3A_166 : vector<1024xf32> to vector<1x1x1024xf32>
    tpu.vector_store %arg3[%swap3A_175, %swap3A_176, %swap3A_177], %swap3A_180 {strides = array<i32>} : memref<1x8x1024xf32, #tpu.memory_space<vmem>>, vector<1x1x1024xf32>,
    %add3A_181 = vector.broadcast %mul3A_19 : i32 to vector<1024xi32>
    %add3A_182 = arith.addi %reduce_min3A_174, %add3A_181 : vector<1024xi32>
    %swap3A_183 = arith.constant 0 : index
    %swap3A_184 = arith.constant 5 : index
    %swap3A_185 = arith.constant 0 : index
    %swap3A_186 = vector.load %arg4[%swap3A_183, %swap3A_184, %swap3A_185] : memref<1x8x1024xi32, #tpu.memory_space<vmem>>, vector<1x1x1024xi32>
    %swap3A_187 = vector.shape_cast %swap3A_186 : vector<1x1x1024xi32> to vector<1024xi32>
    %swap3A_188 = vector.shape_cast %add3A_182 : vector<1024xi32> to vector<1x1x1024xi32>
    tpu.vector_store %arg4[%swap3A_183, %swap3A_184, %swap3A_185], %swap3A_188 {strides = array<i32>} : memref<1x8x1024xi32, #tpu.memory_space<vmem>>, vector<1x1x1024xi32>,
    %broadcast_in_dim3A_189 = vector.shape_cast %reduce_min3A_174 : vector<1024xi32> to vector<1024x1xi32>
    %eq3A_190 = vector.broadcast %broadcast_in_dim3A_189 : vector<1024x1xi32> to vector<1024x2000xi32>
    %eq3A_191 = arith.cmpi eq, %iota3A, %eq3A_190 : vector<1024x2000xi32>
    %jit3A_192 = arith.constant 0x7F800000 : f32
    %broadcast_in_dim3A_193 = vector.broadcast %jit3A_192 : f32 to vector<1024x2000xf32>
    %select_n3A_194 = arith.select %eq3A_191, %broadcast_in_dim3A_193, %select_n3A_164 : vector<1024x2000xi1>, vector<1024x2000xf32>
    %reduce_min3A_195 = arith.constant dense<0x7F800000> : vector<1024xf32>
    %reduce_min3A_196 = vector.multi_reduction <minimumf>, %select_n3A_194, %reduce_min3A_195 [1] : vector<1024x2000xf32> to vector<1024xf32>
    %broadcast_in_dim3A_197 = vector.shape_cast %reduce_min3A_196 : vector<1024xf32> to vector<1024x1xf32>
    %eq3A_198 = vector.broadcast %broadcast_in_dim3A_197 : vector<1024x1xf32> to vector<1024x2000xf32>
    %eq3A_199 = arith.cmpf oeq, %select_n3A_194, %eq3A_198 : vector<1024x2000xf32>
    %jit3A_200 = arith.constant 1073741824 : i32
    %broadcast_in_dim3A_201 = vector.broadcast %jit3A_200 : i32 to vector<1024x2000xi32>
    %select_n3A_202 = arith.select %eq3A_199, %iota3A, %broadcast_in_dim3A_201 : vector<1024x2000xi1>, vector<1024x2000xi32>
    %reduce_min3A_203 = arith.constant dense<2147483647> : vector<1024xi32>
    %reduce_min3A_204 = vector.multi_reduction <minsi>, %select_n3A_202, %reduce_min3A_203 [1] : vector<1024x2000xi32> to vector<1024xi32>
    %swap3A_205 = arith.constant 0 : index
    %swap3A_206 = arith.constant 6 : index
    %swap3A_207 = arith.constant 0 : index
    %swap3A_208 = vector.load %arg3[%swap3A_205, %swap3A_206, %swap3A_207] : memref<1x8x1024xf32, #tpu.memory_space<vmem>>, vector<1x1x1024xf32>
    %swap3A_209 = vector.shape_cast %swap3A_208 : vector<1x1x1024xf32> to vector<1024xf32>
    %swap3A_210 = vector.shape_cast %reduce_min3A_196 : vector<1024xf32> to vector<1x1x1024xf32>
    tpu.vector_store %arg3[%swap3A_205, %swap3A_206, %swap3A_207], %swap3A_210 {strides = array<i32>} : memref<1x8x1024xf32, #tpu.memory_space<vmem>>, vector<1x1x1024xf32>,
    %add3A_211 = vector.broadcast %mul3A_19 : i32 to vector<1024xi32>
    %add3A_212 = arith.addi %reduce_min3A_204, %add3A_211 : vector<1024xi32>
    %swap3A_213 = arith.constant 0 : index
    %swap3A_214 = arith.constant 6 : index
    %swap3A_215 = arith.constant 0 : index
    %swap3A_216 = vector.load %arg4[%swap3A_213, %swap3A_214, %swap3A_215] : memref<1x8x1024xi32, #tpu.memory_space<vmem>>, vector<1x1x1024xi32>
    %swap3A_217 = vector.shape_cast %swap3A_216 : vector<1x1x1024xi32> to vector<1024xi32>
    %swap3A_218 = vector.shape_cast %add3A_212 : vector<1024xi32> to vector<1x1x1024xi32>
    tpu.vector_store %arg4[%swap3A_213, %swap3A_214, %swap3A_215], %swap3A_218 {strides = array<i32>} : memref<1x8x1024xi32, #tpu.memory_space<vmem>>, vector<1x1x1024xi32>,
    %broadcast_in_dim3A_219 = vector.shape_cast %reduce_min3A_204 : vector<1024xi32> to vector<1024x1xi32>
    %eq3A_220 = vector.broadcast %broadcast_in_dim3A_219 : vector<1024x1xi32> to vector<1024x2000xi32>
    %eq3A_221 = arith.cmpi eq, %iota3A, %eq3A_220 : vector<1024x2000xi32>
    %jit3A_222 = arith.constant 0x7F800000 : f32
    %broadcast_in_dim3A_223 = vector.broadcast %jit3A_222 : f32 to vector<1024x2000xf32>
    %select_n3A_224 = arith.select %eq3A_221, %broadcast_in_dim3A_223, %select_n3A_194 : vector<1024x2000xi1>, vector<1024x2000xf32>
    %reduce_min3A_225 = arith.constant dense<0x7F800000> : vector<1024xf32>
    %reduce_min3A_226 = vector.multi_reduction <minimumf>, %select_n3A_224, %reduce_min3A_225 [1] : vector<1024x2000xf32> to vector<1024xf32>
    %broadcast_in_dim3A_227 = vector.shape_cast %reduce_min3A_226 : vector<1024xf32> to vector<1024x1xf32>
    %eq3A_228 = vector.broadcast %broadcast_in_dim3A_227 : vector<1024x1xf32> to vector<1024x2000xf32>
    %eq3A_229 = arith.cmpf oeq, %select_n3A_224, %eq3A_228 : vector<1024x2000xf32>
    %jit3A_230 = arith.constant 1073741824 : i32
    %broadcast_in_dim3A_231 = vector.broadcast %jit3A_230 : i32 to vector<1024x2000xi32>
    %select_n3A_232 = arith.select %eq3A_229, %iota3A, %broadcast_in_dim3A_231 : vector<1024x2000xi1>, vector<1024x2000xi32>
    %reduce_min3A_233 = arith.constant dense<2147483647> : vector<1024xi32>
    %reduce_min3A_234 = vector.multi_reduction <minsi>, %select_n3A_232, %reduce_min3A_233 [1] : vector<1024x2000xi32> to vector<1024xi32>
    %swap3A_235 = arith.constant 0 : index
    %swap3A_236 = arith.constant 7 : index
    %swap3A_237 = arith.constant 0 : index
    %swap3A_238 = vector.load %arg3[%swap3A_235, %swap3A_236, %swap3A_237] : memref<1x8x1024xf32, #tpu.memory_space<vmem>>, vector<1x1x1024xf32>
    %swap3A_239 = vector.shape_cast %swap3A_238 : vector<1x1x1024xf32> to vector<1024xf32>
    %swap3A_240 = vector.shape_cast %reduce_min3A_226 : vector<1024xf32> to vector<1x1x1024xf32>
    tpu.vector_store %arg3[%swap3A_235, %swap3A_236, %swap3A_237], %swap3A_240 {strides = array<i32>} : memref<1x8x1024xf32, #tpu.memory_space<vmem>>, vector<1x1x1024xf32>,
    %add3A_241 = vector.broadcast %mul3A_19 : i32 to vector<1024xi32>
    %add3A_242 = arith.addi %reduce_min3A_234, %add3A_241 : vector<1024xi32>
    %swap3A_243 = arith.constant 0 : index
    %swap3A_244 = arith.constant 7 : index
    %swap3A_245 = arith.constant 0 : index
    %swap3A_246 = vector.load %arg4[%swap3A_243, %swap3A_244, %swap3A_245] : memref<1x8x1024xi32, #tpu.memory_space<vmem>>, vector<1x1x1024xi32>
    %swap3A_247 = vector.shape_cast %swap3A_246 : vector<1x1x1024xi32> to vector<1024xi32>
    %swap3A_248 = vector.shape_cast %add3A_242 : vector<1024xi32> to vector<1x1x1024xi32>
    tpu.vector_store %arg4[%swap3A_243, %swap3A_244, %swap3A_245], %swap3A_248 {strides = array<i32>} : memref<1x8x1024xi32, #tpu.memory_space<vmem>>, vector<1x1x1024xi32>,
    return
  }
  func.func @transform_0(%arg0: i32) -> (i32, i32) {
    %c0_i32 = arith.constant 0 : i32
    %c0_i32_0 = arith.constant 0 : i32
    %c0_i32_1 = arith.constant 0 : i32
    return %c0_i32, %c0_i32_0 : i32, i32
  }
  func.func @transform_1(%arg0: i32) -> (i32, i32) {
    %c0_i32 = arith.constant 0 : i32
    %c0_i32_0 = arith.constant 0 : i32
    return %arg0, %c0_i32 : i32, i32
  }
  func.func @transform_2(%arg0: i32) -> (i32, i32, i32) {
    %c0_i32 = arith.constant 0 : i32
    %c0_i32_0 = arith.constant 0 : i32
    %c0_i32_1 = arith.constant 0 : i32
    return %arg0, %c0_i32, %c0_i32_0 : i32, i32, i32
  }
  func.func @transform_3(%arg0: i32) -> (i32, i32, i32) {
    %c0_i32 = arith.constant 0 : i32
    %c0_i32_0 = arith.constant 0 : i32
    %c0_i32_1 = arith.constant 0 : i32
    return %arg0, %c0_i32, %c0_i32_0 : i32, i32, i32
  }
}

</mosaic_0001>

<sc_bundles>
// kernel: kernel.5.cloned.1.call-start
scs
__scs_entry_jumppad:
0x0: {  	(pc) =	sbr.rel $0x88, $3  }
0x1: {  	(tag) =	ssettag $0x0;
	lr =	simm.s32 $0x1  }
0x2: {  	[smem:$0x3F9E] =	sst lr;
	_ =	strace $0xD0000000  }
0x3: {  	_ = 	snop  }
0x4: {  	_ = 	snop  }
0x5: {  	_ = 	snop  }
0x6: {  	_ = 	snop  }
0x7: {  	_ = 	snop  }
__scs_overlays_trampoline_lowered:
0x8: {  	[smem:$0x3FAD] =	sst s0  }
0x9: {  	[smem:$0x3FAE] =	sst s1  }
0xa: {  	[smem:$0x3FAF] =	sst s2  }
0xb: {  	[smem:$0x3FB0] =	sst s3  }
0xc: {  	[smem:$0x3FB1] =	sst s4  }
0xd: {  	[smem:$0x3FB2] =	sst s5  }
0xe: {  	[smem:$0x3FB3] =	sst s6  }
0xf: {  	[smem:$0x3FB4] =	sst s7  }
0x10: {  	[smem:$0x3FB5] =	sst s8  }
0x11: {  	[smem:$0x3FB6] =	sst s9;
	s0 =	simm.s32 @!p0 $0x0  }
0x12: {  	s1 =	sld [smem:$0x3F9C];
	s0 =	simm.s32 @p0 $0x1  }
0x13: {  	[smem:$0x3FB7] =	sst s0;
	s0 =	simm.s32 @!p1 $0x0  }
0x14: {  	s2 =	sld [smem:$0x3F9B];
	s0 =	simm.s32 @p1 $0x1  }
0x15: {  	[smem:$0x3FB8] =	sst s0;
	s0 =	simm.s32 @!p2 $0x0  }
0x16: {  	s3 =	sld [smem:$0x3FDB];
	s0 =	simm.s32 @p2 $0x1  }
0x17: {  	s4 =	simm.s32 $0x1BF5;
	[smem:$0x3FBA] =	sst s0  }
0x18: {  	s0 =	sld [smem:$0x3F9D];
	_ =	swait.ge [sflag:s4], $0x0  }
0x19: {  	s7 =	sld [smem:$0x3F9E]  }
0x1a: {  	s8 =	sadd.s32 $0xFFFFE003, lr  }
0x1b: {  	s9 =	sadd.s32 $0xFFFFFEF7, lr;
	s5 =	simm.s32 $0xFFFFFFFF;
	p2 =	slt.u32 s8, $0xFFFFF086  }
0x1c: {  	p1 =	slt.u32 s9, $0xF7A;
	s5 =	simm.s32 @!p2 $0x0  }
0x1d: {  	s5 =	simm.s32 @p1 $0x1;
	p0 =	seq.s32 s7, s2  }
0x1e: {  	s7 =	smul.u32 @!p0 $0xF7A, s2;
	p2 =	seq.s32 @!p0 s5, $0x0  }
0x1f: {  	s9 =	smul.u32 $0xF7A, s1;
	s8 =	simm.s32 @!p0 $0x1BF5;
	p2 =	por !p2, p0  }
0x20: {  	[sflag:s8] =	ssyncset.s32 @!p0 $0xFFFFF086;
	s6 =	sadd.s32 @!p0 s3, s7;
	s7 =	simm.s32 @!p0 $0x108  }
0x21: {  	s3 =	sadd.s32 s3, s9;
	s6 =	sadd.s32 @!p0 $0x88, s6;
	s7 =	simm.s32 @p2 $0x1082  }
0x22: {  	[simem:s7], [sflag:s8] =	dma.local @!p0 [hbm:s6], $0xF7A  }
0x23: {  	s9 =	sor.u32 $0xD0000000, s2;
	s6 =	simm.s32 $0x108;
	_ =	swait.ge @!p0 [sflag:s8], $0x0  }
0x24: {  	s3 =	sadd.s32 $0x88, s3;
	s6 =	simm.s32 @!p1 $0x1082;
	[sflag:s4] =	ssyncset.s32 $0xFFFFF086  }
0x25: {  	[simem:s6], [sflag:s4] =	dma.local [hbm:s3], $0xF7A  }
0x26: {  	[smem:$0x3F9E] =	sst s1;
	(tag) =	ssettag s2;
	_ =	strace s9  }
0x27: {  	s1 =	sld [smem:$0x3FAE]  }
0x28: {  	s2 =	sld [smem:$0x3FAF]  }
0x29: {  	s4 =	sld [smem:$0x3FB1]  }
0x2a: {  	p0 =	seq.s32 s5, $0x0;
	s5 =	sld [smem:$0x3FB2]  }
0x2b: {  	s6 =	sld [smem:$0x3FB3]  }
0x2c: {  	s7 =	sld [smem:$0x3FB4]  }
0x2d: {  	s3 =	simm.s32 $0x108;
	s8 =	sld [smem:$0x3FB5]  }
0x2e: {  	s3 =	simm.s32 @!p0 $0x1082;
	s9 =	sld [smem:$0x3FB6]  }
0x2f: {  	lr =	sadd.s32 s0, s3;
	s0 =	sld [smem:$0x3FAD]  }
0x30: {  	s3 =	sld [smem:$0x3FB0]  }
0x31: {  	[smem:$0x3FB9] =	sst s10  }
0x32: {  	s10 =	sld [smem:$0x3FB7];
	_ =	sdelay $0x3  }
0x33: {  	p0 =	seq.s32 s10, $0x1;
	s10 =	sld [smem:$0x3FB9];
	_ =	sdelay $0x3  }
0x34: {  	[smem:$0x3FB9] =	sst s10  }
0x35: {  	s10 =	sld [smem:$0x3FB8];
	_ =	sdelay $0x3  }
0x36: {  	p1 =	seq.s32 s10, $0x1;
	s10 =	sld [smem:$0x3FB9];
	_ =	sdelay $0x3  }
0x37: {  	[smem:$0x3FB9] =	sst s10  }
0x38: {  	s10 =	sld [smem:$0x3FBA]  }
0x39: {  	_ = 	snop;
	(pc) =	sbr.ind lr, $3  }
0x3a: {  	_ = 	snop  }
0x3b: {  	_ = 	snop  }
0x3c: {  	p2 =	seq.s32 s10, $0x1;
	s10 =	sld [smem:$0x3FB9]  }
0x3d: {  	_ =	shalt  }
0x3e: {  	_ =	shalt  }
0x3f: {  	_ =	shalt  }
0x40: {  	_ =	shalt  }
0x41: {  	_ =	shalt  }
0x42: {  	_ =	shalt  }
0x43: {  	_ =	shalt  }
0x44: {  	_ =	shalt  }
0x45: {  	_ =	shalt  }
0x46: {  	_ =	shalt  }
0x47: {  	_ =	shalt  }
0x48: {  	_ =	shalt  }
0x49: {  	_ =	shalt  }
0x4a: {  	_ =	shalt  }
0x4b: {  	_ =	shalt  }
0x4c: {  	_ =	shalt  }
0x4d: {  	_ =	shalt  }
0x4e: {  	_ =	shalt  }
0x4f: {  	_ =	shalt  }
0x50: {  	_ =	shalt  }
0x51: {  	_ =	shalt  }
0x52: {  	_ =	shalt  }
0x53: {  	_ =	shalt  }
0x54: {  	_ =	shalt  }
0x55: {  	_ =	shalt  }
0x56: {  	_ =	shalt  }
0x57: {  	_ =	shalt  }
0x58: {  	_ =	shalt  }
0x59: {  	_ =	shalt  }
0x5a: {  	_ =	shalt  }
0x5b: {  	_ =	shalt  }
0x5c: {  	_ =	shalt  }
0x5d: {  	_ =	shalt  }
0x5e: {  	_ =	shalt  }
0x5f: {  	_ =	shalt  }
0x60: {  	_ =	shalt  }
0x61: {  	_ =	shalt  }
0x62: {  	_ =	shalt  }
0x63: {  	_ =	shalt  }
0x64: {  	_ =	shalt  }
0x65: {  	_ =	shalt  }
0x66: {  	_ =	shalt  }
0x67: {  	_ =	shalt  }
0x68: {  	_ =	shalt  }
0x69: {  	_ =	shalt  }
0x6a: {  	_ =	shalt  }
0x6b: {  	_ =	shalt  }
0x6c: {  	_ =	shalt  }
0x6d: {  	_ =	shalt  }
0x6e: {  	_ =	shalt  }
0x6f: {  	_ =	shalt  }
0x70: {  	_ =	shalt  }
0x71: {  	_ =	shalt  }
0x72: {  	_ =	shalt  }
0x73: {  	_ =	shalt  }
0x74: {  	_ =	shalt  }
0x75: {  	_ =	shalt  }
0x76: {  	_ =	shalt  }
0x77: {  	_ =	shalt  }
0x78: {  	_ =	shalt  }
0x79: {  	_ =	shalt  }
0x7a: {  	_ =	shalt  }
0x7b: {  	_ =	shalt  }
0x7c: {  	_ =	shalt  }
0x7d: {  	_ =	shalt  }
0x7e: {  	_ =	shalt  }
0x7f: {  	_ =	shalt  }
0x80: {  	_ =	shalt  }
0x81: {  	_ =	shalt  }
0x82: {  	_ =	shalt  }
0x83: {  	_ =	shalt  }
0x84: {  	_ =	shalt  }
0x85: {  	_ =	shalt  }
0x86: {  	_ =	shalt  }
0x87: {  	_ =	shalt  }
.Lfunc_end0:
.L_simem_size_0:
called_computation_lowered:
.L_overlay_start_0:
0x88: {  	s2 =	sld [smem:$0x3FD9]  }
0x89: {  	s3 =	sld [smem:$0x3FFE];
	_ =	sdelay $0x1  }
0x8a: {  	s1 =	srdreg.scid  }
0x8b: {  	s0 =	sand.u32 $0x1, s1  }
0x8c: {  	s17 =	sshll.u32 s0, $0xA;
	s2 =	sadd.s32 s3, s2  }
0x8d: {  	s2 =	sadd.s32 s2, s17  }
0x8e: {  	[smem:$0x3FC5] =	sst s2  }
0x8f: {  	_ = 	snop  }
0x90: {  	s2 =	sld [smem:$0x3FD0];
	(tm) =	ssettm $0x1  }
0x91: {  	s18 =	sld [smem:$0x3FFB];
	_ =	sdelay $0x3  }
0x92: {  	_ =	strace s18  }
0x93: {  	s3 =	sld [smem:$0x3FFC];
	_ =	sdelay $0x3  }
0x94: {  	_ =	strace s3  }
0x95: {  	s3 =	sld [smem:$0x3FFD];
	_ =	sdelay $0x3  }
0x96: {  	_ =	strace s3  }
0x97: {  	_ =	strace $0x8FFFFFFF  }
0x98: {  	s19 =	sld [smem:$0x3FDB];
	_ =	sdelay $0x1  }
0x99: {  	s4 =	simm.s32 $_scs_section_size  }
0x9a: {  	s5 =	simm.s32 $_size__tile_overlayer_lowered;
	s6 =	simm.s32 $_tile_overlayer_lowered  }
0x9b: {  	s22 =	simm.s32 $0x1BFF;
	s21 =	sshll.u32 s6, $0x1;
	s3 =	sadd.s32 s4, s19  }
0x9c: {  	s7 =	simm.s32 $0x0;
	s20 =	sshll.u32 s5, $0x1;
	s5 =	sadd.s32 s21, s3  }
0x9d: {  	[timem:s7], [sflag:s22] =	dma.local [hbm:s5], s20  }
0x9e: {  	_ =	swait.ge [sflag:s22], s20  }
0x9f: {  	s4 =	ssub.s32 $0x0, s20;
	[sflag:s22] =	ssyncset.done $0x0  }
0xa0: {  	[sflag:s22] =	ssyncadd.s32 s4;
	_ =	sdelay $0x1  }
0xa1: {  	s23 =	simm.s32 $0x1B8B  }
0xa2: {  	_ =	swait.ge [sflag:s23], $0x1  }
0xa3: {  	[sflag:s23] =	ssyncset.done $0x0  }
0xa4: {  	s25 =	simm.s32 $0x1B8E;
	s24 =	sld [smem:$0x3FFE];
	[sflag:s23] =	ssyncadd.s32 $0xFFFFFFFF  }
0xa5: {  	s26 =	simm.s32 $execute0_lowered;
	[smem:$0x3FD2] =	sst s25  }
0xa6: {  	s5 =	sshll.u32 s26, $0x1;
	_ =	strace $0x80000046;
	[dreg:$0x1] =	wrdreg $0xFFFFFFFF  }
0xa7: {  	s28 =	simm.s32 $_size_execute0_lowered;
	s3 =	sadd.s32 s3, s5;
	[dreg:$0x0] =	wrdreg $0x0  }
0xa8: {  	s5 =	sshll.u32 s28, $0x1;
	[dreg:$0x2] =	wrdreg s3  }
0xa9: {  	[dreg:$0x3] =	wrdreg s5  }
0xaa: {  	[dreg:$0x4] =	wrdreg $0xC0  }
0xab: {  	_ =	task [dreg:s7], $0x5FFFF  }
0xac: {  	[dreg:$0x1] =	wrdreg $0xFFFFFFFF  }
0xad: {  	[dreg:$0x0] =	wrdreg $0x60  }
0xae: {  	[dreg:$0x2] =	wrdreg s24  }
0xaf: {  	[dreg:$0x3] =	wrdreg s2  }
0xb0: {  	[dreg:$0x4] =	wrdreg $0x9  }
0xb1: {  	_ =	task.clear_ibuf [dreg:s7], $0x5FFFF;
	_ =	strace $0x90000046  }
0xb2: {  	s29 =	simm.s32 $0x9;
	_ =	strace $0x80000048  }
0xb3: {  	_ =	swait.ge [sflag:s29], $0x1  }
0xb4: {  	[sflag:s29] =	ssyncadd.s32 $0xFFFFFFFF  }
0xb5: {  	_ =	strace $0x90000048  }
0xb6: {  	_ =	sfence  }
0xb7: {  	s30 =	sld [smem:$0x0];
	_ =	sdelay $0x2  }
0xb8: {  	s31 =	sshll.u32 s1, $0xD;
	s1 =	sshrl.u32 s1, $0x2  }
0xb9: {  	s3 =	sand.u32 $0x4000, s31;
	s1 =	sadd.s32 s1, s30  }
0xba: {  	s0 =	sor.u32 s3, s0;
	s1 =	sshll.u32 s1, $0x11  }
0xbb: {  	s0 =	sor.u32 s1, s0  }
0xbc: {  	s0 =	sadd.s32 $0x8F2B, s0  }
0xbd: {  	[sflag:s0] =	ssyncadd.remote.s32 $0x1  }
0xbe: {  	_ =	sfence.sel $0xFFFF  }
0xbf: {  	[dreg:$0x0] =	wrdreg $0xFFFFFFFF;
	(pc) =	sbr.abs _section_cstart, $3  }
0xc0: {  	[dreg:$0x1] =	wrdreg $0xFFFFFFFF  }
0xc1: {  	_ =	task.clear_ibuf [dreg:s7], $0x2FFFF;
	_ =	strace $0x9FFFFFFF  }
0xc2: {  	(tm) =	ssettm $0x7FFFFFFF  }
0xc3: {  	_ =	shalt  }
tec
execute0_lowered:
.L_overlay_start_1:
0x0: {  	(tag) =	ssettag $0x1  }
0x1: {  	s4 =	rddreg [dreg:$0x0]  }
0x2: {  	s5 =	rddreg [dreg:$0x1]  }
0x3: {  	s0 =	rddreg [dreg:$0x2];
	s2 =	simm.s32 $0x0  }
0x4: {  	s3 =	srdreg.scid;
	s1 =	stileid.u32;
	s10 =	simm.s32 $0x4100  }
0x5: {  	s11 =	simm.s32 $0x1;
	s12 =	simm.s32 $0x8100;
	s13 =	simm.s32 $0x0  }
0x6: {  	[smem:$0x7FF] =	sst s2;
	s6 =	sand.u32 $0x1, s3;
	s7 =	sshll.u32 s1, $0x1  }
0x7: {  	s3 =	sadd.s32 $0xC35800, s4;
	s7 =	sor.u32 s6, s7;
	s6 =	ssub.s32 $0x2, s6  }
0x8: {  	_ =	strace $0x80000047;
	s8 =	sshll.u32 s7, $0x9;
	s9 =	sshrl.u32 s6, $0x1  }
0x9: {  	s7 =	sshll.u32 s7, $0x5;
	s8 =	sadd.s32 s8, s4;
	s6 =	ssub.s32 s6, s9  }
0xa: {  	s4 =	sadd.s32 s5, s7;
	s7 =	simm.s32 $0x2;
	s9 =	simm.s32 $0x100  }
0xb: {  	s5 =	sadd.s32 $0x800, s8;
	s6 =	smax.u32 s6, $0x1;
	s8 =	simm.s32 $0x80  }
.LBB2_1:
0xc: {  	[tilespmem:s2], [sflag:$0x2] =	stream.linear.gather [hbm4b:s4+s2], $0x100, $0x38;
	[tilespmem:$0x9100] =	vst v63  }
0xd: {  	_ =	swait.ge [sflag:s7], $0x100  }
0xe: {  	[sflag:s7] =	ssyncset.done $0x0  }
0xf: {  	[sflag:s7] =	ssyncadd.s32 $0xFFFFFF00  }
0x10: {  	[tilespmem:s9], [sflag:$0x1] =	stream.indirect.gather [hbm4b:s3+s8], $0x80, s2, s8, $0xb8;
	[tilespmem:$0x9100] =	vst v63  }
0x11: {  	_ = 	snop  }
0x12: {  	[tilespmem:s10], [sflag:$0x1] =	stream.indirect.gather [hbm4b:s3+s8], $0x80, s8, s8, $0xb8;
	[tilespmem:$0x9100] =	vst v63  }
0x13: {  	_ =	swait.ge [sflag:s11], $0x4000  }
0x14: {  	[sflag:s11] =	ssyncset.done $0x0  }
0x15: {  	[sflag:s11] =	ssyncadd.s32 $0xFFFFC000  }
0x16: {  	_ =	swait.ge [sflag:s11], $0x4000  }
0x17: {  	[sflag:s11] =	ssyncset.done $0x0  }
0x18: {  	s14 =	simm.s32 $0x300;
	[sflag:s11] =	ssyncadd.s32 $0xFFFFC000  }
0x19: {  	v0 =	vld [tilespmem:s14+$0xFFFFFE00]  }
0x1a: {  	v1 =	vld [tilespmem:s14+$0xFFFFFEA0];
	_ =	sdelay $0x1  }
0x1b: {  	v2 =	vld [tilespmem:s14+$0xFFFFFF40];
	_ =	sdelay $0x1  }
0x1c: {  	v3 =	vld [tilespmem:s14+$0xFFFFFFE0]  }
0x1d: {  	v0 =	vadd.f32 v1, v0  }
0x1e: {  	v1 =	vld [tilespmem:s14+$0x0]  }
0x1f: {  	v0 =	vadd.f32 v2, v0  }
0x20: {  	v2 =	vld [tilespmem:s14+$0xA0]  }
0x21: {  	v0 =	vadd.f32 v3, v0  }
0x22: {  	v3 =	vld [tilespmem:s14+$0x140]  }
0x23: {  	v0 =	vadd.f32 v1, v0  }
0x24: {  	v1 =	vld [tilespmem:s14+$0x1E0]  }
0x25: {  	v0 =	vadd.f32 v2, v0;
	_ =	sdelay $0x1  }
0x26: {  	v0 =	vadd.f32 v3, v0;
	_ =	sdelay $0x1  }
0x27: {  	v0 =	vadd.f32 v1, v0;
	_ =	sdelay $0x1  }
0x28: {  	v0 =	vmul.f32 $1.250000000e-01, v0  }
0x29: {  	s16 =	simm.s32 $0x0  }
0x2a: {  	[tilespmem:s16+$0x8100] =	vst v0  }
0x2b: {  	v0 =	vld [tilespmem:s14+$0xFFFFFE10]  }
0x2c: {  	v1 =	vld [tilespmem:s14+$0xFFFFFEB0];
	_ =	sdelay $0x1  }
0x2d: {  	v2 =	vld [tilespmem:s14+$0xFFFFFF50];
	_ =	sdelay $0x1  }
0x2e: {  	v3 =	vld [tilespmem:s14+$0xFFFFFFF0]  }
0x2f: {  	v0 =	vadd.f32 v1, v0  }
0x30: {  	v1 =	vld [tilespmem:s14+$0x10]  }
0x31: {  	v0 =	vadd.f32 v2, v0  }
0x32: {  	v2 =	vld [tilespmem:s14+$0xB0]  }
0x33: {  	v0 =	vadd.f32 v3, v0  }
0x34: {  	v3 =	vld [tilespmem:s14+$0x150]  }
0x35: {  	v0 =	vadd.f32 v1, v0  }
0x36: {  	v1 =	vld [tilespmem:s14+$0x1F0]  }
0x37: {  	v0 =	vadd.f32 v2, v0;
	_ =	sdelay $0x1  }
0x38: {  	v0 =	vadd.f32 v3, v0;
	_ =	sdelay $0x1  }
0x39: {  	v0 =	vadd.f32 v1, v0;
	_ =	sdelay $0x1  }
0x3a: {  	s15 =	simm.s32 $0x200;
	v0 =	vmul.f32 $1.250000000e-01, v0  }
.LBB2_2:
0x3b: {  	p0 =	sne.s32 s15, $0x3E00  }
0x3c: {  	s14 =	sadd.s32 $0x400, s14;
	s17 =	smov.u32 s15;
	s15 =	sadd.s32 $0x200, s15  }
0x3d: {  	[tilespmem:s16+$0x8110] =	vst v0  }
0x3e: {  	v0 =	vld [tilespmem:s14+$0xFFFFFE00]  }
0x3f: {  	v1 =	vld [tilespmem:s14+$0xFFFFFEA0];
	_ =	sdelay $0x1  }
0x40: {  	v2 =	vld [tilespmem:s14+$0xFFFFFF40];
	_ =	sdelay $0x1  }
0x41: {  	v3 =	vld [tilespmem:s14+$0xFFFFFFE0]  }
0x42: {  	v0 =	vadd.f32 v1, v0  }
0x43: {  	v1 =	vld [tilespmem:s14+$0x0]  }
0x44: {  	v0 =	vadd.f32 v2, v0  }
0x45: {  	v2 =	vld [tilespmem:s14+$0xA0]  }
0x46: {  	v0 =	vadd.f32 v3, v0  }
0x47: {  	v3 =	vld [tilespmem:s14+$0x140]  }
0x48: {  	v0 =	vadd.f32 v1, v0  }
0x49: {  	v1 =	vld [tilespmem:s14+$0x1E0]  }
0x4a: {  	v0 =	vadd.f32 v2, v0;
	_ =	sdelay $0x1  }
0x4b: {  	v0 =	vadd.f32 v3, v0;
	_ =	sdelay $0x1  }
0x4c: {  	v0 =	vadd.f32 v1, v0;
	_ =	sdelay $0x1  }
0x4d: {  	v0 =	vmul.f32 $1.250000000e-01, v0  }
0x4e: {  	s16 =	sshra.s32 s17, $0x2  }
0x4f: {  	[tilespmem:s16+$0x8100] =	vst v0  }
0x50: {  	v0 =	vld [tilespmem:s14+$0xFFFFFE10]  }
0x51: {  	v1 =	vld [tilespmem:s14+$0xFFFFFEB0]  }
0x52: {  	v2 =	vld [tilespmem:s14+$0xFFFFFF50];
	_ =	sdelay $0x1  }
0x53: {  	v3 =	vld [tilespmem:s14+$0xFFFFFFF0];
	_ =	sdelay $0x1  }
0x54: {  	v0 =	vadd.f32 v1, v0;
	v1 =	vld [tilespmem:s14+$0x10];
	_ =	sdelay $0x1  }
0x55: {  	v0 =	vadd.f32 v2, v0;
	v2 =	vld [tilespmem:s14+$0xB0];
	_ =	sdelay $0x1  }
0x56: {  	v0 =	vadd.f32 v3, v0;
	v3 =	vld [tilespmem:s14+$0x150];
	_ =	sdelay $0x1  }
0x57: {  	v0 =	vadd.f32 v1, v0;
	v1 =	vld [tilespmem:s14+$0x1F0];
	_ =	sdelay $0x1  }
0x58: {  	v0 =	vadd.f32 v2, v0;
	_ =	sdelay $0x1  }
.Ltmp0:
0x59: {  	v0 =	vadd.f32 v3, v0;
	(pc) =	sbr.rel @p0 .LBB2_2-.Ltmp0, $3  }
0x5a: {  	_ = 	snop  }
0x5b: {  	v0 =	vadd.f32 v1, v0;
	_ =	sdelay $0x1  }
0x5c: {  	v0 =	vmul.f32 $1.250000000e-01, v0  }
0x5d: {  	s13 =	sadd.s32 $0x1, s13  }
0x5e: {  	p0 =	sne.s32 s13, s6  }
.Ltmp1:
0x5f: {  	[tilespmem:s16+$0x8110] =	vst v0;
	(pc) =	sbr.rel @p0 .LBB2_1-.Ltmp1, $4  }
0x60: {  	[hbm4b:s5+s2] =	stream.linear.scatter [tilespmem:s12], [sflag:$0x2], $0x1000, $0x38;
	[tilespmem:$0x9100] =	vst v63  }
0x61: {  	_ =	swait.ge [sflag:s7], $0x1000  }
0x62: {  	[sflag:s7] =	ssyncset.done $0x0  }
0x63: {  	[sflag:s7] =	ssyncadd.s32 $0xFFFFF000  }
0x64: {  	_ =	sfence.sel $0x180000  }
0x65: {  	[bflag:$0x0] =	sbarrier.arrive $0xFFFF  }
0x66: {  	p0 =	sne.s32 s1, $0x0;
	_ =	strace $0x90000047  }
0x67: {  	s0 =	sadd.s32 @!p0 $0x100000, s0;
	[bflag:$0x2] =	sbarrier.arrive $0xFFFF  }
0x68: {  	[sflag:s0] =	ssyncadd.tile.s32 @!p0 $0x1;
	_ =	shalt  }
.Lfunc_end2:
_tile_overlayer_lowered:
.L_overlay_start_2:
0x69: {  	(tag) =	ssettag $0x2  }
0x6a: {  	s0 =	rddreg [dreg:$0x0];
	s2 =	stileid.u32  }
0x6b: {  	s1 =	rddreg [dreg:$0x1];
	p0 =	sne.s32 s2, $0x0  }
0x6c: {  	s3 =	rddreg [dreg:$0x2];
	[bflag:$0x3] =	sbarrier.arrive $0xFFFF;
	s2 =	simm.s32 @!p0 $0x1C02  }
0x6d: {  	[timem:s3], [sflag:s2] =	dma.local @!p0 [hbm:s0], s1  }
0x6e: {  	s0 =	simm.s32 @!p0 $0x2  }
0x6f: {  	_ =	swait.ge @!p0 [sflag:s0], s1  }
0x70: {  	s1 =	ssub.s32 @!p0 $0x0, s1;
	[sflag:s0] =	ssyncset.done @!p0 $0x0  }
0x71: {  	[sflag:s0] =	ssyncadd.s32 @!p0 s1  }
0x72: {  	[bflag:$0x3] =	sbarrier.arrive $0xFFFF  }
0x73: {  	_ =	shalt  }

</sc_bundles>
